<compile_context>
chip_gen: v7x
topology: tpu7x:2x2x1
jax: 0.10.2.dev20260603
libtpu: 0.0.44.dev20260713+nightly
codegen_flags: <defaults>
</compile_context>

<pallas_src>
import functools

import jax
import jax.numpy as jnp
import numpy as np
from jax import lax
from jax.experimental import pallas as pl
from jax.experimental.pallas import tpu as pltpu
from jax.experimental.pallas import tpu_sc as plsc

_K = 64
_T_MAX = 10080.0
_D_MAX = 200.0
_SCALE_T = np.float32((_K - 1) / _T_MAX)
_SCALE_D = np.float32((_K - 1) / _D_MAX)
_CLIP = np.float32(_K - 1 - 1e-06)

_NC, _NS, _L = 2, 16, 16
_NW = _NC * _NS
_B, _S = 4, 2048
_RPW = _B * _S // _NW
_SLAB = 8
_G = _RPW // _SLAB
_VROW = _S // _L


def _compute_slab(dt_v, dd_v, out_v, et_v, det_v, ed_v, ded_v):

    @plsc.parallel_loop(0, _SLAB * _VROW, unroll=8)
    def vbody(i):
        r = i // _VROW
        off = pl.multiple_of((i % _VROW) * _L, _L)
        t = dt_v[r, pl.ds(off, _L)]
        d = dd_v[r, pl.ds(off, _L)]
        tb = jnp.minimum(jnp.maximum(t, 0.0) * _SCALE_T, _CLIP)
        db = jnp.minimum(jnp.maximum(d, 0.0) * _SCALE_D, _CLIP)
        kt = tb.astype(jnp.int32)
        kd = db.astype(jnp.int32)
        a_t = plsc.load_gather(et_v, [kt])
        c_t = plsc.load_gather(det_v, [kt])
        a_d = plsc.load_gather(ed_v, [kd])
        c_d = plsc.load_gather(ded_v, [kd])
        out_v[r, pl.ds(off, _L)] = (a_t + tb * c_t) + (a_d + db * c_d)


def _sc_body(dt_hbm, dd_hbm, tab_hbm, out_hbm,
             et_v, det_v, ed_v, ded_v, dt_v0, dt_v1, dd_v0, dd_v1,
             out_v0, out_v1, isem0, isem1, osem0, osem1):
    wid = lax.axis_index("s") * _NC + lax.axis_index("c")
    b = wid // (_S // _RPW)
    r0 = (wid % (_S // _RPW)) * _RPW
    pltpu.sync_copy(tab_hbm.at[pl.ds(0, _K)], et_v)
    pltpu.sync_copy(tab_hbm.at[pl.ds(_K, _K)], det_v)
    pltpu.sync_copy(tab_hbm.at[pl.ds(2 * _K, _K)], ed_v)
    pltpu.sync_copy(tab_hbm.at[pl.ds(3 * _K, _K)], ded_v)

    bufs = ((dt_v0, dd_v0, out_v0, isem0, osem0),
            (dt_v1, dd_v1, out_v1, isem1, osem1))

    def start_in(g, bi):
        dtv, ddv, _, isem, _ = bufs[bi]
        r = r0 + g * _SLAB
        pltpu.make_async_copy(
            dt_hbm.at[b, pl.ds(r, _SLAB), :], dtv, isem).start()
        pltpu.make_async_copy(
            dd_hbm.at[b, pl.ds(r, _SLAB), :], ddv, isem).start()

    def wait_in(bi):
        dtv, ddv, _, isem, _ = bufs[bi]
        pltpu.make_async_copy(
            dt_hbm.at[0, pl.ds(0, _SLAB), :], dtv, isem).wait()
        pltpu.make_async_copy(
            dd_hbm.at[0, pl.ds(0, _SLAB), :], ddv, isem).wait()

    def start_out(g, bi):
        _, _, ov, _, osem = bufs[bi]
        r = r0 + g * _SLAB
        pltpu.make_async_copy(
            ov, out_hbm.at[b, pl.ds(r, _SLAB), :], osem).start()

    def wait_out(bi):
        _, _, ov, _, osem = bufs[bi]
        pltpu.make_async_copy(
            ov, out_hbm.at[0, pl.ds(0, _SLAB), :], osem).wait()

    start_in(0, 0)
    start_in(1, 1)

    def ubody(u, carry):
        for bi in range(2):
            g = u * 2 + bi
            dtv, ddv, ov, _, _ = bufs[bi]
            wait_in(bi)

            @pl.when(g >= 2)
            def _():
                wait_out(bi)

            _compute_slab(dtv, ddv, ov, et_v, det_v, ed_v, ded_v)
            start_out(g, bi)

            @pl.when(g + 2 < _G)
            def _():
                start_in(g + 2, bi)
        return carry

    lax.fori_loop(0, _G // 2, ubody, 0)
    wait_out(0)
    wait_out(1)


_sc_call = functools.partial(
    pl.kernel,
    out_type=jax.ShapeDtypeStruct((_B, _S, _S), jnp.float32),
    mesh=plsc.VectorSubcoreMesh(
        core_axis_name="c", subcore_axis_name="s",
        num_cores=_NC, num_subcores=_NS),
    scratch_types=[
        pltpu.VMEM((_K,), jnp.float32),
        pltpu.VMEM((_K,), jnp.float32),
        pltpu.VMEM((_K,), jnp.float32),
        pltpu.VMEM((_K,), jnp.float32),
        pltpu.VMEM((_SLAB, _S), jnp.float32),
        pltpu.VMEM((_SLAB, _S), jnp.float32),
        pltpu.VMEM((_SLAB, _S), jnp.float32),
        pltpu.VMEM((_SLAB, _S), jnp.float32),
        pltpu.VMEM((_SLAB, _S), jnp.float32),
        pltpu.VMEM((_SLAB, _S), jnp.float32),
        pltpu.SemaphoreType.DMA,
        pltpu.SemaphoreType.DMA,
        pltpu.SemaphoreType.DMA,
        pltpu.SemaphoreType.DMA,
    ],
    compiler_params=pltpu.CompilerParams(
        needs_layout_passes=False, use_tc_tiling_on_sc=True),
)(_sc_body)


def kernel(dt_minutes, dd_km, E_t, E_d):
    zero = jnp.zeros((1,), jnp.float32)
    d_t = jnp.concatenate([E_t[1:] - E_t[:-1], zero])
    d_d = jnp.concatenate([E_d[1:] - E_d[:-1], zero])
    karange = jnp.arange(_K, dtype=jnp.float32)
    tab = jnp.concatenate(
        [E_t - karange * d_t, d_t, E_d - karange * d_d, d_d])
    return _sc_call(dt_minutes, dd_km, tab)

# --- scband reference (transcript-rebuilt; emitter-appended) ---
"""Pipeline reference for scband-pairwise-bias-46420006536003 (READ-ONLY COPY).

The authoritative reference and input builder live on the scoring server;
editing this copy changes nothing except your own understanding.
"""

import jax, jax.numpy as jnp
import numpy as np

K_T = 64
K_D = 64
T_MAX = 10080.0
D_MAX = 200.0


def setup_inputs(seed: int = 0) -> dict:
    key = jax.random.key(seed)
    k1, k2, k3, k4 = jax.random.split(key, 4)
    dt_minutes = jax.random.uniform(k1, (4, 2048, 2048), dtype=jnp.float32)
    dd_km = jax.random.uniform(k2, (4, 2048, 2048), dtype=jnp.float32)
    E_t = jax.random.normal(k3, (K_T,), dtype=jnp.float32) * 0.1
    E_d = jax.random.normal(k4, (K_D,), dtype=jnp.float32) * 0.1
    return {"dt_minutes": dt_minutes, "dd_km": dd_km, "E_t": E_t, "E_d": E_d}


def _interp_scalar(table, x):
    K = table.shape[0]
    x = jnp.clip(x, 0.0, K - 1 - 1e-06)
    k = jnp.floor(x).astype(jnp.int32)
    frac = x - k.astype(jnp.float32)
    lo = jnp.take(table, k, axis=0)
    hi = jnp.take(table, jnp.minimum(k + 1, K - 1), axis=0)
    return (1.0 - frac) * lo + frac * hi


def reference(dt_minutes, dd_km, E_t, E_d):
    t_bin = jnp.clip(dt_minutes, 0.0, T_MAX) / T_MAX * (K_T - 1)
    d_bin = jnp.clip(dd_km, 0.0, D_MAX) / D_MAX * (K_D - 1)
    return _interp_scalar(E_t, t_bin) + _interp_scalar(E_d, d_bin)

if __name__ == "__main__":
    import jax
    _d = setup_inputs()
    print(jax.jit(kernel)(*tuple(_d.values())))

</pallas_src>

<mosaic_0001>
#map = affine_map<(d0, d1) -> (0, 0, 0)>
#map1 = affine_map<(d0, d1) -> (0)>
module attributes {stable_mosaic.version = 14 : i64} {
  func.func @_sc_body(%arg0: i32, %arg1: i32, %arg2: memref<4x2048x2048xf32, #tpu.memory_space<hbm>>, %arg3: memref<4x2048x2048xf32, #tpu.memory_space<hbm>>, %arg4: memref<256xf32, #tpu.memory_space<hbm>>, %arg5: memref<4x2048x2048xf32, #tpu.memory_space<hbm>>, %arg6: memref<64xf32, #tpu.memory_space<vmem>>, %arg7: memref<64xf32, #tpu.memory_space<vmem>>, %arg8: memref<64xf32, #tpu.memory_space<vmem>>, %arg9: memref<64xf32, #tpu.memory_space<vmem>>, %arg10: memref<8x2048xf32, #tpu.memory_space<vmem>>, %arg11: memref<8x2048xf32, #tpu.memory_space<vmem>>, %arg12: memref<8x2048xf32, #tpu.memory_space<vmem>>, %arg13: memref<8x2048xf32, #tpu.memory_space<vmem>>, %arg14: memref<8x2048xf32, #tpu.memory_space<vmem>>, %arg15: memref<8x2048xf32, #tpu.memory_space<vmem>>, %arg16: memref<!tpu.dma_semaphore, #tpu.memory_space<semaphore_mem>>, %arg17: memref<!tpu.dma_semaphore, #tpu.memory_space<semaphore_mem>>, %arg18: memref<!tpu.dma_semaphore, #tpu.memory_space<semaphore_mem>>, %arg19: memref<!tpu.dma_semaphore, #tpu.memory_space<semaphore_mem>>) attributes {dimension_semantics = [#tpu.dimension_semantics<core_parallel>, #tpu.dimension_semantics<subcore_parallel>], iteration_bounds = array<i64: 2, 16>, scalar_prefetch = 0 : i64, scratch_operands = 14 : i64, tpu.core_type = #tpu.core_type<sc_vector_subcore>, window_params = [{transform_indices = #map}, {transform_indices = #map}, {transform_indices = #map1}, {transform_indices = #map}]} {
    %mul3A = arith.constant 2 : i32
    %mul3A_0 = arith.muli %arg1, %mul3A : i32
    %add3A = arith.addi %mul3A_0, %arg0 : i32
    %jit3A = arith.constant 8 : i32
    %div3A = arith.divsi %add3A, %jit3A : i32
    %sign3A = arith.constant 0 : i32
    %sign3A_1 = arith.cmpi sgt, %add3A, %sign3A : i32
    %sign3A_2 = arith.extui %sign3A_1 : i1 to i32
    %sign3A_3 = arith.constant 0 : i32
    %sign3A_4 = arith.cmpi slt, %add3A, %sign3A_3 : i32
    %sign3A_5 = arith.extui %sign3A_4 : i1 to i32
    %sign3A_6 = arith.subi %sign3A_2, %sign3A_5 : i32
    %sign3A_7 = arith.constant 0 : i32
    %sign3A_8 = arith.cmpi sgt, %jit3A, %sign3A_7 : i32
    %sign3A_9 = arith.extui %sign3A_8 : i1 to i32
    %sign3A_10 = arith.constant 0 : i32
    %sign3A_11 = arith.cmpi slt, %jit3A, %sign3A_10 : i32
    %sign3A_12 = arith.extui %sign3A_11 : i1 to i32
    %sign3A_13 = arith.subi %sign3A_9, %sign3A_12 : i32
    %ne3A = arith.cmpi ne, %sign3A_6, %sign3A_13 : i32
    %rem3A = arith.remsi %add3A, %jit3A : i32
    %ne3A_14 = arith.constant 0 : i32
    %ne3A_15 = arith.cmpi ne, %rem3A, %ne3A_14 : i32
    %and3A = arith.andi %ne3A, %ne3A_15 : i1
    %sub3A = arith.constant 1 : i32
    %sub3A_16 = arith.subi %div3A, %sub3A : i32
    %select_n3A = arith.select %and3A, %sub3A_16, %div3A : i32
    %jit3A_17 = arith.constant 8 : i32
    %eq3A = arith.constant 0 : i32
    %eq3A_18 = arith.cmpi eq, %jit3A_17, %eq3A : i32
    %jit3A_19 = arith.constant 1 : i32
    %select_n3A_20 = arith.select %eq3A_18, %jit3A_19, %jit3A_17 : i32
    %rem3A_21 = arith.remsi %add3A, %select_n3A_20 : i32
    %ne3A_22 = arith.constant 0 : i32
    %ne3A_23 = arith.cmpi ne, %rem3A_21, %ne3A_22 : i32
    %lt3A = arith.constant 0 : i32
    %lt3A_24 = arith.cmpi slt, %rem3A_21, %lt3A : i32
    %lt3A_25 = arith.constant 0 : i32
    %lt3A_26 = arith.cmpi slt, %select_n3A_20, %lt3A_25 : i32
    %ne3A_27 = arith.xori %lt3A_24, %lt3A_26 : i1
    %and3A_28 = arith.andi %ne3A_27, %ne3A_23 : i1
    %add3A_29 = arith.addi %rem3A_21, %select_n3A_20 : i32
    %select_n3A_30 = arith.select %and3A_28, %add3A_29, %rem3A_21 : i32
    %mul3A_31 = arith.constant 256 : i32
    %mul3A_32 = arith.muli %select_n3A_30, %mul3A_31 : i32
    "tpu.region"() ({
      %run_scoped3A = tpu.sem_alloc : memref<!tpu.dma_semaphore, #tpu.memory_space<semaphore_mem>>
      %dma_start3A_82 = arith.constant 0 : i32
      %dma_start3A_83 = tpu.memref_slice %arg4[%dma_start3A_82] : memref<256xf32, #tpu.memory_space<hbm>> -> memref<64xf32, #tpu.memory_space<hbm>>
      %dma_start3A_84 = arith.constant 0 : i32
      %dma_start3A_85 = tpu.memref_slice %arg4[%dma_start3A_84] : memref<256xf32, #tpu.memory_space<hbm>> -> memref<64xf32, #tpu.memory_space<hbm>>
      tpu.enqueue_dma source(%dma_start3A_85 : memref<64xf32, #tpu.memory_space<hbm>>) target(%arg6 : memref<64xf32, #tpu.memory_space<vmem>>) target_semaphore(%run_scoped3A : memref<!tpu.dma_semaphore, #tpu.memory_space<semaphore_mem>>)
      %dma_wait3A_86 = arith.constant 0 : i32
      %dma_wait3A_87 = tpu.memref_slice %arg4[%dma_wait3A_86] : memref<256xf32, #tpu.memory_space<hbm>> -> memref<64xf32, #tpu.memory_space<hbm>>
      %dma_wait3A_88 = arith.constant 0 : i32
      %dma_wait3A_89 = tpu.memref_slice %arg4[%dma_wait3A_88] : memref<256xf32, #tpu.memory_space<hbm>> -> memref<64xf32, #tpu.memory_space<hbm>>
      tpu.wait_dma2 semaphore(%run_scoped3A : memref<!tpu.dma_semaphore, #tpu.memory_space<semaphore_mem>>) src(%dma_wait3A_89 : memref<64xf32, #tpu.memory_space<hbm>>) dst(%arg6 : memref<64xf32, #tpu.memory_space<vmem>>)
      tpu.yield
    }) : () -> ()
    "tpu.region"() ({
      %run_scoped3A = tpu.sem_alloc : memref<!tpu.dma_semaphore, #tpu.memory_space<semaphore_mem>>
      %dma_start3A_82 = arith.constant 64 : i32
      %dma_start3A_83 = tpu.memref_slice %arg4[%dma_start3A_82] : memref<256xf32, #tpu.memory_space<hbm>> -> memref<64xf32, #tpu.memory_space<hbm>>
      %dma_start3A_84 = arith.constant 64 : i32
      %dma_start3A_85 = tpu.memref_slice %arg4[%dma_start3A_84] : memref<256xf32, #tpu.memory_space<hbm>> -> memref<64xf32, #tpu.memory_space<hbm>>
      tpu.enqueue_dma source(%dma_start3A_85 : memref<64xf32, #tpu.memory_space<hbm>>) target(%arg7 : memref<64xf32, #tpu.memory_space<vmem>>) target_semaphore(%run_scoped3A : memref<!tpu.dma_semaphore, #tpu.memory_space<semaphore_mem>>)
      %dma_wait3A_86 = arith.constant 64 : i32
      %dma_wait3A_87 = tpu.memref_slice %arg4[%dma_wait3A_86] : memref<256xf32, #tpu.memory_space<hbm>> -> memref<64xf32, #tpu.memory_space<hbm>>
      %dma_wait3A_88 = arith.constant 64 : i32
      %dma_wait3A_89 = tpu.memref_slice %arg4[%dma_wait3A_88] : memref<256xf32, #tpu.memory_space<hbm>> -> memref<64xf32, #tpu.memory_space<hbm>>
      tpu.wait_dma2 semaphore(%run_scoped3A : memref<!tpu.dma_semaphore, #tpu.memory_space<semaphore_mem>>) src(%dma_wait3A_89 : memref<64xf32, #tpu.memory_space<hbm>>) dst(%arg7 : memref<64xf32, #tpu.memory_space<vmem>>)
      tpu.yield
    }) : () -> ()
    "tpu.region"() ({
      %run_scoped3A = tpu.sem_alloc : memref<!tpu.dma_semaphore, #tpu.memory_space<semaphore_mem>>
      %dma_start3A_82 = arith.constant 128 : i32
      %dma_start3A_83 = tpu.memref_slice %arg4[%dma_start3A_82] : memref<256xf32, #tpu.memory_space<hbm>> -> memref<64xf32, #tpu.memory_space<hbm>>
      %dma_start3A_84 = arith.constant 128 : i32
      %dma_start3A_85 = tpu.memref_slice %arg4[%dma_start3A_84] : memref<256xf32, #tpu.memory_space<hbm>> -> memref<64xf32, #tpu.memory_space<hbm>>
      tpu.enqueue_dma source(%dma_start3A_85 : memref<64xf32, #tpu.memory_space<hbm>>) target(%arg8 : memref<64xf32, #tpu.memory_space<vmem>>) target_semaphore(%run_scoped3A : memref<!tpu.dma_semaphore, #tpu.memory_space<semaphore_mem>>)
      %dma_wait3A_86 = arith.constant 128 : i32
      %dma_wait3A_87 = tpu.memref_slice %arg4[%dma_wait3A_86] : memref<256xf32, #tpu.memory_space<hbm>> -> memref<64xf32, #tpu.memory_space<hbm>>
      %dma_wait3A_88 = arith.constant 128 : i32
      %dma_wait3A_89 = tpu.memref_slice %arg4[%dma_wait3A_88] : memref<256xf32, #tpu.memory_space<hbm>> -> memref<64xf32, #tpu.memory_space<hbm>>
      tpu.wait_dma2 semaphore(%run_scoped3A : memref<!tpu.dma_semaphore, #tpu.memory_space<semaphore_mem>>) src(%dma_wait3A_89 : memref<64xf32, #tpu.memory_space<hbm>>) dst(%arg8 : memref<64xf32, #tpu.memory_space<vmem>>)
      tpu.yield
    }) : () -> ()
    "tpu.region"() ({
      %run_scoped3A = tpu.sem_alloc : memref<!tpu.dma_semaphore, #tpu.memory_space<semaphore_mem>>
      %dma_start3A_82 = arith.constant 192 : i32
      %dma_start3A_83 = tpu.memref_slice %arg4[%dma_start3A_82] : memref<256xf32, #tpu.memory_space<hbm>> -> memref<64xf32, #tpu.memory_space<hbm>>
      %dma_start3A_84 = arith.constant 192 : i32
      %dma_start3A_85 = tpu.memref_slice %arg4[%dma_start3A_84] : memref<256xf32, #tpu.memory_space<hbm>> -> memref<64xf32, #tpu.memory_space<hbm>>
      tpu.enqueue_dma source(%dma_start3A_85 : memref<64xf32, #tpu.memory_space<hbm>>) target(%arg9 : memref<64xf32, #tpu.memory_space<vmem>>) target_semaphore(%run_scoped3A : memref<!tpu.dma_semaphore, #tpu.memory_space<semaphore_mem>>)
      %dma_wait3A_86 = arith.constant 192 : i32
      %dma_wait3A_87 = tpu.memref_slice %arg4[%dma_wait3A_86] : memref<256xf32, #tpu.memory_space<hbm>> -> memref<64xf32, #tpu.memory_space<hbm>>
      %dma_wait3A_88 = arith.constant 192 : i32
      %dma_wait3A_89 = tpu.memref_slice %arg4[%dma_wait3A_88] : memref<256xf32, #tpu.memory_space<hbm>> -> memref<64xf32, #tpu.memory_space<hbm>>
      tpu.wait_dma2 semaphore(%run_scoped3A : memref<!tpu.dma_semaphore, #tpu.memory_space<semaphore_mem>>) src(%dma_wait3A_89 : memref<64xf32, #tpu.memory_space<hbm>>) dst(%arg9 : memref<64xf32, #tpu.memory_space<vmem>>)
      tpu.yield
    }) : () -> ()
    %add3A_33 = arith.constant 0 : i32
    %add3A_34 = arith.addi %mul3A_32, %add3A_33 : i32
    %dma_start3A = arith.constant 0 : i32
    %dma_start3A_35 = tpu.memref_slice %arg2[%select_n3A, %add3A_34, %dma_start3A] : memref<4x2048x2048xf32, #tpu.memory_space<hbm>> -> memref<1x8x2048xf32, #tpu.memory_space<hbm>>
    %dma_start3A_36 = tpu.memref_squeeze %dma_start3A_35 : memref<1x8x2048xf32, #tpu.memory_space<hbm>> -> memref<8x2048xf32, #tpu.memory_space<hbm>>
    %dma_start3A_37 = arith.constant 0 : i32
    %dma_start3A_38 = tpu.memref_slice %arg2[%select_n3A, %add3A_34, %dma_start3A_37] : memref<4x2048x2048xf32, #tpu.memory_space<hbm>> -> memref<1x8x2048xf32, #tpu.memory_space<hbm>>
    %dma_start3A_39 = tpu.memref_squeeze %dma_start3A_38 : memref<1x8x2048xf32, #tpu.memory_space<hbm>> -> memref<8x2048xf32, #tpu.memory_space<hbm>>
    tpu.enqueue_dma source(%dma_start3A_39 : memref<8x2048xf32, #tpu.memory_space<hbm>>) target(%arg10 : memref<8x2048xf32, #tpu.memory_space<vmem>>) target_semaphore(%arg16 : memref<!tpu.dma_semaphore, #tpu.memory_space<semaphore_mem>>)
    %dma_start3A_40 = arith.constant 0 : i32
    %dma_start3A_41 = tpu.memref_slice %arg3[%select_n3A, %add3A_34, %dma_start3A_40] : memref<4x2048x2048xf32, #tpu.memory_space<hbm>> -> memref<1x8x2048xf32, #tpu.memory_space<hbm>>
    %dma_start3A_42 = tpu.memref_squeeze %dma_start3A_41 : memref<1x8x2048xf32, #tpu.memory_space<hbm>> -> memref<8x2048xf32, #tpu.memory_space<hbm>>
    %dma_start3A_43 = arith.constant 0 : i32
    %dma_start3A_44 = tpu.memref_slice %arg3[%select_n3A, %add3A_34, %dma_start3A_43] : memref<4x2048x2048xf32, #tpu.memory_space<hbm>> -> memref<1x8x2048xf32, #tpu.memory_space<hbm>>
    %dma_start3A_45 = tpu.memref_squeeze %dma_start3A_44 : memref<1x8x2048xf32, #tpu.memory_space<hbm>> -> memref<8x2048xf32, #tpu.memory_space<hbm>>
    tpu.enqueue_dma source(%dma_start3A_45 : memref<8x2048xf32, #tpu.memory_space<hbm>>) target(%arg12 : memref<8x2048xf32, #tpu.memory_space<vmem>>) target_semaphore(%arg16 : memref<!tpu.dma_semaphore, #tpu.memory_space<semaphore_mem>>)
    %add3A_46 = arith.constant 8 : i32
    %add3A_47 = arith.addi %mul3A_32, %add3A_46 : i32
    %dma_start3A_48 = arith.constant 0 : i32
    %dma_start3A_49 = tpu.memref_slice %arg2[%select_n3A, %add3A_47, %dma_start3A_48] : memref<4x2048x2048xf32, #tpu.memory_space<hbm>> -> memref<1x8x2048xf32, #tpu.memory_space<hbm>>
    %dma_start3A_50 = tpu.memref_squeeze %dma_start3A_49 : memref<1x8x2048xf32, #tpu.memory_space<hbm>> -> memref<8x2048xf32, #tpu.memory_space<hbm>>
    %dma_start3A_51 = arith.constant 0 : i32
    %dma_start3A_52 = tpu.memref_slice %arg2[%select_n3A, %add3A_47, %dma_start3A_51] : memref<4x2048x2048xf32, #tpu.memory_space<hbm>> -> memref<1x8x2048xf32, #tpu.memory_space<hbm>>
    %dma_start3A_53 = tpu.memref_squeeze %dma_start3A_52 : memref<1x8x2048xf32, #tpu.memory_space<hbm>> -> memref<8x2048xf32, #tpu.memory_space<hbm>>
    tpu.enqueue_dma source(%dma_start3A_53 : memref<8x2048xf32, #tpu.memory_space<hbm>>) target(%arg11 : memref<8x2048xf32, #tpu.memory_space<vmem>>) target_semaphore(%arg17 : memref<!tpu.dma_semaphore, #tpu.memory_space<semaphore_mem>>)
    %dma_start3A_54 = arith.constant 0 : i32
    %dma_start3A_55 = tpu.memref_slice %arg3[%select_n3A, %add3A_47, %dma_start3A_54] : memref<4x2048x2048xf32, #tpu.memory_space<hbm>> -> memref<1x8x2048xf32, #tpu.memory_space<hbm>>
    %dma_start3A_56 = tpu.memref_squeeze %dma_start3A_55 : memref<1x8x2048xf32, #tpu.memory_space<hbm>> -> memref<8x2048xf32, #tpu.memory_space<hbm>>
    %dma_start3A_57 = arith.constant 0 : i32
    %dma_start3A_58 = tpu.memref_slice %arg3[%select_n3A, %add3A_47, %dma_start3A_57] : memref<4x2048x2048xf32, #tpu.memory_space<hbm>> -> memref<1x8x2048xf32, #tpu.memory_space<hbm>>
    %dma_start3A_59 = tpu.memref_squeeze %dma_start3A_58 : memref<1x8x2048xf32, #tpu.memory_space<hbm>> -> memref<8x2048xf32, #tpu.memory_space<hbm>>
    tpu.enqueue_dma source(%dma_start3A_59 : memref<8x2048xf32, #tpu.memory_space<hbm>>) target(%arg13 : memref<8x2048xf32, #tpu.memory_space<vmem>>) target_semaphore(%arg17 : memref<!tpu.dma_semaphore, #tpu.memory_space<semaphore_mem>>)
    %scan3A = arith.constant 0 : i32
    %scan3A_60 = arith.constant 0 : i32
    %scan3A_61 = arith.constant 16 : i32
    %scan3A_62 = arith.addi %scan3A_60, %scan3A_61 : i32
    %scan3A_63 = arith.constant 1 : i32
    scf.for %scan3A_82 = %scan3A_60 to %scan3A_62 step %scan3A_63  : i32 {
      %mul3A_83 = arith.constant 2 : i32
      %mul3A_84 = arith.muli %scan3A_82, %mul3A_83 : i32
      %add3A_85 = arith.constant 0 : i32
      %add3A_86 = arith.addi %mul3A_84, %add3A_85 : i32
      %dma_wait3A_87 = arith.constant 0 : i32
      %dma_wait3A_88 = arith.constant 0 : i32
      %dma_wait3A_89 = arith.constant 0 : i32
      %dma_wait3A_90 = tpu.memref_slice %arg2[%dma_wait3A_87, %dma_wait3A_88, %dma_wait3A_89] : memref<4x2048x2048xf32, #tpu.memory_space<hbm>> -> memref<1x8x2048xf32, #tpu.memory_space<hbm>>
      %dma_wait3A_91 = tpu.memref_squeeze %dma_wait3A_90 : memref<1x8x2048xf32, #tpu.memory_space<hbm>> -> memref<8x2048xf32, #tpu.memory_space<hbm>>
      %dma_wait3A_92 = arith.constant 0 : i32
      %dma_wait3A_93 = arith.constant 0 : i32
      %dma_wait3A_94 = tpu.memref_slice %arg2[%dma_wait3A_87, %dma_wait3A_92, %dma_wait3A_93] : memref<4x2048x2048xf32, #tpu.memory_space<hbm>> -> memref<1x8x2048xf32, #tpu.memory_space<hbm>>
      %dma_wait3A_95 = tpu.memref_squeeze %dma_wait3A_94 : memref<1x8x2048xf32, #tpu.memory_space<hbm>> -> memref<8x2048xf32, #tpu.memory_space<hbm>>
      tpu.wait_dma2 semaphore(%arg16 : memref<!tpu.dma_semaphore, #tpu.memory_space<semaphore_mem>>) src(%dma_wait3A_95 : memref<8x2048xf32, #tpu.memory_space<hbm>>) dst(%arg10 : memref<8x2048xf32, #tpu.memory_space<vmem>>)
      %dma_wait3A_96 = arith.constant 0 : i32
      %dma_wait3A_97 = arith.constant 0 : i32
      %dma_wait3A_98 = arith.constant 0 : i32
      %dma_wait3A_99 = tpu.memref_slice %arg3[%dma_wait3A_96, %dma_wait3A_97, %dma_wait3A_98] : memref<4x2048x2048xf32, #tpu.memory_space<hbm>> -> memref<1x8x2048xf32, #tpu.memory_space<hbm>>
      %dma_wait3A_100 = tpu.memref_squeeze %dma_wait3A_99 : memref<1x8x2048xf32, #tpu.memory_space<hbm>> -> memref<8x2048xf32, #tpu.memory_space<hbm>>
      %dma_wait3A_101 = arith.constant 0 : i32
      %dma_wait3A_102 = arith.constant 0 : i32
      %dma_wait3A_103 = tpu.memref_slice %arg3[%dma_wait3A_96, %dma_wait3A_101, %dma_wait3A_102] : memref<4x2048x2048xf32, #tpu.memory_space<hbm>> -> memref<1x8x2048xf32, #tpu.memory_space<hbm>>
      %dma_wait3A_104 = tpu.memref_squeeze %dma_wait3A_103 : memref<1x8x2048xf32, #tpu.memory_space<hbm>> -> memref<8x2048xf32, #tpu.memory_space<hbm>>
      tpu.wait_dma2 semaphore(%arg16 : memref<!tpu.dma_semaphore, #tpu.memory_space<semaphore_mem>>) src(%dma_wait3A_104 : memref<8x2048xf32, #tpu.memory_space<hbm>>) dst(%arg12 : memref<8x2048xf32, #tpu.memory_space<vmem>>)
      %ge3A = arith.constant 2 : i32
      %ge3A_105 = arith.cmpi sge, %add3A_86, %ge3A : i32
      %convert_element_type3A = arith.extui %ge3A_105 : i1 to i32
      %cond3A = arith.constant 0 : i32
      %cond3A_106 = arith.cmpi ne, %convert_element_type3A, %cond3A : i32
      scf.if %cond3A_106 {
        %dma_wait3A_171 = arith.constant 0 : i32
        %dma_wait3A_172 = arith.constant 0 : i32
        %dma_wait3A_173 = arith.constant 0 : i32
        %dma_wait3A_174 = tpu.memref_slice %arg5[%dma_wait3A_171, %dma_wait3A_172, %dma_wait3A_173] : memref<4x2048x2048xf32, #tpu.memory_space<hbm>> -> memref<1x8x2048xf32, #tpu.memory_space<hbm>>
        %dma_wait3A_175 = tpu.memref_squeeze %dma_wait3A_174 : memref<1x8x2048xf32, #tpu.memory_space<hbm>> -> memref<8x2048xf32, #tpu.memory_space<hbm>>
        %dma_wait3A_176 = arith.constant 0 : i32
        %dma_wait3A_177 = arith.constant 0 : i32
        %dma_wait3A_178 = tpu.memref_slice %arg5[%dma_wait3A_171, %dma_wait3A_176, %dma_wait3A_177] : memref<4x2048x2048xf32, #tpu.memory_space<hbm>> -> memref<1x8x2048xf32, #tpu.memory_space<hbm>>
        %dma_wait3A_179 = tpu.memref_squeeze %dma_wait3A_178 : memref<1x8x2048xf32, #tpu.memory_space<hbm>> -> memref<8x2048xf32, #tpu.memory_space<hbm>>
        tpu.wait_dma2 semaphore(%arg18 : memref<!tpu.dma_semaphore, #tpu.memory_space<semaphore_mem>>) src(%arg14 : memref<8x2048xf32, #tpu.memory_space<vmem>>) dst(%dma_wait3A_179 : memref<8x2048xf32, #tpu.memory_space<hbm>>)
      } else {
      }
      %parallel_loop3A = arith.constant 0 : i32
      %parallel_loop3A_107 = arith.constant 1024 : i32
      %parallel_loop3A_108 = arith.constant 1 : i32
      scf.for %parallel_loop3A_171 = %parallel_loop3A to %parallel_loop3A_107 step %parallel_loop3A_108  : i32 {
        %parallel_loop3A_172 = arith.constant 128 : i32
        %parallel_loop3A_173 = arith.divsi %parallel_loop3A_171, %parallel_loop3A_172 : i32
        %parallel_loop3A_174 = arith.constant 0 : i32
        %parallel_loop3A_175 = arith.cmpi sgt, %parallel_loop3A_171, %parallel_loop3A_174 : i32
        %parallel_loop3A_176 = arith.extui %parallel_loop3A_175 : i1 to i32
        %parallel_loop3A_177 = arith.constant 0 : i32
        %parallel_loop3A_178 = arith.cmpi slt, %parallel_loop3A_171, %parallel_loop3A_177 : i32
        %parallel_loop3A_179 = arith.extui %parallel_loop3A_178 : i1 to i32
        %parallel_loop3A_180 = arith.subi %parallel_loop3A_176, %parallel_loop3A_179 : i32
        %parallel_loop3A_181 = arith.constant 0 : i32
        %parallel_loop3A_182 = arith.cmpi sgt, %parallel_loop3A_172, %parallel_loop3A_181 : i32
        %parallel_loop3A_183 = arith.extui %parallel_loop3A_182 : i1 to i32
        %parallel_loop3A_184 = arith.constant 0 : i32
        %parallel_loop3A_185 = arith.cmpi slt, %parallel_loop3A_172, %parallel_loop3A_184 : i32
        %parallel_loop3A_186 = arith.extui %parallel_loop3A_185 : i1 to i32
        %parallel_loop3A_187 = arith.subi %parallel_loop3A_183, %parallel_loop3A_186 : i32
        %parallel_loop3A_188 = arith.cmpi ne, %parallel_loop3A_180, %parallel_loop3A_187 : i32
        %parallel_loop3A_189 = arith.remsi %parallel_loop3A_171, %parallel_loop3A_172 : i32
        %parallel_loop3A_190 = arith.constant 0 : i32
        %parallel_loop3A_191 = arith.cmpi ne, %parallel_loop3A_189, %parallel_loop3A_190 : i32
        %parallel_loop3A_192 = arith.andi %parallel_loop3A_188, %parallel_loop3A_191 : i1
        %parallel_loop3A_193 = arith.constant 1 : i32
        %parallel_loop3A_194 = arith.subi %parallel_loop3A_173, %parallel_loop3A_193 : i32
        %parallel_loop3A_195 = arith.select %parallel_loop3A_192, %parallel_loop3A_194, %parallel_loop3A_173 : i32
        %parallel_loop3A_196 = arith.constant 128 : i32
        %parallel_loop3A_197 = arith.constant 0 : i32
        %parallel_loop3A_198 = arith.cmpi eq, %parallel_loop3A_196, %parallel_loop3A_197 : i32
        %parallel_loop3A_199 = arith.constant 1 : i32
        %parallel_loop3A_200 = arith.select %parallel_loop3A_198, %parallel_loop3A_199, %parallel_loop3A_196 : i32
        %parallel_loop3A_201 = arith.remsi %parallel_loop3A_171, %parallel_loop3A_200 : i32
        %parallel_loop3A_202 = arith.constant 0 : i32
        %parallel_loop3A_203 = arith.cmpi ne, %parallel_loop3A_201, %parallel_loop3A_202 : i32
        %parallel_loop3A_204 = arith.constant 0 : i32
        %parallel_loop3A_205 = arith.cmpi slt, %parallel_loop3A_201, %parallel_loop3A_204 : i32
        %parallel_loop3A_206 = arith.constant 0 : i32
        %parallel_loop3A_207 = arith.cmpi slt, %parallel_loop3A_200, %parallel_loop3A_206 : i32
        %parallel_loop3A_208 = arith.xori %parallel_loop3A_205, %parallel_loop3A_207 : i1
        %parallel_loop3A_209 = arith.andi %parallel_loop3A_208, %parallel_loop3A_203 : i1
        %parallel_loop3A_210 = arith.addi %parallel_loop3A_201, %parallel_loop3A_200 : i32
        %parallel_loop3A_211 = arith.select %parallel_loop3A_209, %parallel_loop3A_210, %parallel_loop3A_201 : i32
        %parallel_loop3A_212 = arith.constant 16 : i32
        %parallel_loop3A_213 = arith.muli %parallel_loop3A_211, %parallel_loop3A_212 : i32
        %parallel_loop3A_214 = tpu.assume_multiple %parallel_loop3A_213, 16 : i32
        %parallel_loop3A_215 = arith.index_cast %parallel_loop3A_195 : i32 to index
        %parallel_loop3A_216 = arith.index_cast %parallel_loop3A_214 : i32 to index
        %parallel_loop3A_217 = tpu.vector_load %arg10[%parallel_loop3A_215, %parallel_loop3A_216] {strides = array<i32>} : memref<8x2048xf32, #tpu.memory_space<vmem>>, vector<16xf32>,
        %parallel_loop3A_218 = arith.index_cast %parallel_loop3A_195 : i32 to index
        %parallel_loop3A_219 = arith.index_cast %parallel_loop3A_214 : i32 to index
        %parallel_loop3A_220 = tpu.vector_load %arg12[%parallel_loop3A_218, %parallel_loop3A_219] {strides = array<i32>} : memref<8x2048xf32, #tpu.memory_space<vmem>>, vector<16xf32>,
        %parallel_loop3A_221 = arith.constant 0.000000e+00 : f32
        %parallel_loop3A_222 = vector.broadcast %parallel_loop3A_221 : f32 to vector<16xf32>
        %parallel_loop3A_223 = arith.maximumf %parallel_loop3A_217, %parallel_loop3A_222 : vector<16xf32>
        %parallel_loop3A_224 = arith.constant 6.250000e-03 : f32
        %parallel_loop3A_225 = vector.broadcast %parallel_loop3A_224 : f32 to vector<16xf32>
        %parallel_loop3A_226 = arith.mulf %parallel_loop3A_223, %parallel_loop3A_225 : vector<16xf32>
        %parallel_loop3A_227 = arith.constant 6.300000e+01 : f32
        %parallel_loop3A_228 = vector.broadcast %parallel_loop3A_227 : f32 to vector<16xf32>
        %parallel_loop3A_229 = arith.minimumf %parallel_loop3A_226, %parallel_loop3A_228 : vector<16xf32>
        %parallel_loop3A_230 = arith.constant 0.000000e+00 : f32
        %parallel_loop3A_231 = vector.broadcast %parallel_loop3A_230 : f32 to vector<16xf32>
        %parallel_loop3A_232 = arith.maximumf %parallel_loop3A_220, %parallel_loop3A_231 : vector<16xf32>
        %parallel_loop3A_233 = arith.constant 3.150000e-01 : f32
        %parallel_loop3A_234 = vector.broadcast %parallel_loop3A_233 : f32 to vector<16xf32>
        %parallel_loop3A_235 = arith.mulf %parallel_loop3A_232, %parallel_loop3A_234 : vector<16xf32>
        %parallel_loop3A_236 = arith.constant 6.300000e+01 : f32
        %parallel_loop3A_237 = vector.broadcast %parallel_loop3A_236 : f32 to vector<16xf32>
        %parallel_loop3A_238 = arith.minimumf %parallel_loop3A_235, %parallel_loop3A_237 : vector<16xf32>
        %parallel_loop3A_239 = arith.fptosi %parallel_loop3A_229 : vector<16xf32> to vector<16xi32>
        %parallel_loop3A_240 = arith.fptosi %parallel_loop3A_238 : vector<16xf32> to vector<16xi32>
        %parallel_loop3A_241 = tpu.vector_load_idx %arg6[%parallel_loop3A_239] : memref<64xf32, #tpu.memory_space<vmem>>[vector<16xi32>], vector<16xf32>,
        %parallel_loop3A_242 = tpu.vector_load_idx %arg7[%parallel_loop3A_239] : memref<64xf32, #tpu.memory_space<vmem>>[vector<16xi32>], vector<16xf32>,
        %parallel_loop3A_243 = tpu.vector_load_idx %arg8[%parallel_loop3A_240] : memref<64xf32, #tpu.memory_space<vmem>>[vector<16xi32>], vector<16xf32>,
        %parallel_loop3A_244 = tpu.vector_load_idx %arg9[%parallel_loop3A_240] : memref<64xf32, #tpu.memory_space<vmem>>[vector<16xi32>], vector<16xf32>,
        %parallel_loop3A_245 = arith.mulf %parallel_loop3A_229, %parallel_loop3A_242 : vector<16xf32>
        %parallel_loop3A_246 = arith.addf %parallel_loop3A_241, %parallel_loop3A_245 : vector<16xf32>
        %parallel_loop3A_247 = arith.mulf %parallel_loop3A_238, %parallel_loop3A_244 : vector<16xf32>
        %parallel_loop3A_248 = arith.addf %parallel_loop3A_243, %parallel_loop3A_247 : vector<16xf32>
        %parallel_loop3A_249 = arith.addf %parallel_loop3A_246, %parallel_loop3A_248 : vector<16xf32>
        %parallel_loop3A_250 = arith.index_cast %parallel_loop3A_195 : i32 to index
        %parallel_loop3A_251 = arith.index_cast %parallel_loop3A_214 : i32 to index
        %parallel_loop3A_252 = tpu.vector_load %arg14[%parallel_loop3A_250, %parallel_loop3A_251] {strides = array<i32>} : memref<8x2048xf32, #tpu.memory_space<vmem>>, vector<16xf32>,
        tpu.vector_store %arg14[%parallel_loop3A_250, %parallel_loop3A_251], %parallel_loop3A_249 {strides = array<i32>} : memref<8x2048xf32, #tpu.memory_space<vmem>>, vector<16xf32>,
      } {sc.loop_unroll_factor = 8 : i64, sc.parallel_access}
      %mul3A_109 = arith.constant 8 : i32
      %mul3A_110 = arith.muli %add3A_86, %mul3A_109 : i32
      %add3A_111 = arith.addi %mul3A_32, %mul3A_110 : i32
      %dma_start3A_112 = arith.constant 0 : i32
      %dma_start3A_113 = tpu.memref_slice %arg5[%select_n3A, %add3A_111, %dma_start3A_112] : memref<4x2048x2048xf32, #tpu.memory_space<hbm>> -> memref<1x8x2048xf32, #tpu.memory_space<hbm>>
      %dma_start3A_114 = tpu.memref_squeeze %dma_start3A_113 : memref<1x8x2048xf32, #tpu.memory_space<hbm>> -> memref<8x2048xf32, #tpu.memory_space<hbm>>
      %dma_start3A_115 = arith.constant 0 : i32
      %dma_start3A_116 = tpu.memref_slice %arg5[%select_n3A, %add3A_111, %dma_start3A_115] : memref<4x2048x2048xf32, #tpu.memory_space<hbm>> -> memref<1x8x2048xf32, #tpu.memory_space<hbm>>
      %dma_start3A_117 = tpu.memref_squeeze %dma_start3A_116 : memref<1x8x2048xf32, #tpu.memory_space<hbm>> -> memref<8x2048xf32, #tpu.memory_space<hbm>>
      tpu.enqueue_dma source(%arg14 : memref<8x2048xf32, #tpu.memory_space<vmem>>) target(%dma_start3A_117 : memref<8x2048xf32, #tpu.memory_space<hbm>>) target_semaphore(%arg18 : memref<!tpu.dma_semaphore, #tpu.memory_space<semaphore_mem>>)
      %add3A_118 = arith.constant 2 : i32
      %add3A_119 = arith.addi %add3A_86, %add3A_118 : i32
      %lt3A_120 = arith.constant 32 : i32
      %lt3A_121 = arith.cmpi slt, %add3A_119, %lt3A_120 : i32
      %convert_element_type3A_122 = arith.extui %lt3A_121 : i1 to i32
      %cond3A_123 = arith.constant 0 : i32
      %cond3A_124 = arith.cmpi ne, %convert_element_type3A_122, %cond3A_123 : i32
      scf.if %cond3A_124 {
        %add3A_171 = arith.constant 2 : i32
        %add3A_172 = arith.addi %add3A_86, %add3A_171 : i32
        %mul3A_173 = arith.constant 8 : i32
        %mul3A_174 = arith.muli %add3A_172, %mul3A_173 : i32
        %add3A_175 = arith.addi %mul3A_32, %mul3A_174 : i32
        %dma_start3A_176 = arith.constant 0 : i32
        %dma_start3A_177 = tpu.memref_slice %arg2[%select_n3A, %add3A_175, %dma_start3A_176] : memref<4x2048x2048xf32, #tpu.memory_space<hbm>> -> memref<1x8x2048xf32, #tpu.memory_space<hbm>>
        %dma_start3A_178 = tpu.memref_squeeze %dma_start3A_177 : memref<1x8x2048xf32, #tpu.memory_space<hbm>> -> memref<8x2048xf32, #tpu.memory_space<hbm>>
        %dma_start3A_179 = arith.constant 0 : i32
        %dma_start3A_180 = tpu.memref_slice %arg2[%select_n3A, %add3A_175, %dma_start3A_179] : memref<4x2048x2048xf32, #tpu.memory_space<hbm>> -> memref<1x8x2048xf32, #tpu.memory_space<hbm>>
        %dma_start3A_181 = tpu.memref_squeeze %dma_start3A_180 : memref<1x8x2048xf32, #tpu.memory_space<hbm>> -> memref<8x2048xf32, #tpu.memory_space<hbm>>
        tpu.enqueue_dma source(%dma_start3A_181 : memref<8x2048xf32, #tpu.memory_space<hbm>>) target(%arg10 : memref<8x2048xf32, #tpu.memory_space<vmem>>) target_semaphore(%arg16 : memref<!tpu.dma_semaphore, #tpu.memory_space<semaphore_mem>>)
        %dma_start3A_182 = arith.constant 0 : i32
        %dma_start3A_183 = tpu.memref_slice %arg3[%select_n3A, %add3A_175, %dma_start3A_182] : memref<4x2048x2048xf32, #tpu.memory_space<hbm>> -> memref<1x8x2048xf32, #tpu.memory_space<hbm>>
        %dma_start3A_184 = tpu.memref_squeeze %dma_start3A_183 : memref<1x8x2048xf32, #tpu.memory_space<hbm>> -> memref<8x2048xf32, #tpu.memory_space<hbm>>
        %dma_start3A_185 = arith.constant 0 : i32
        %dma_start3A_186 = tpu.memref_slice %arg3[%select_n3A, %add3A_175, %dma_start3A_185] : memref<4x2048x2048xf32, #tpu.memory_space<hbm>> -> memref<1x8x2048xf32, #tpu.memory_space<hbm>>
        %dma_start3A_187 = tpu.memref_squeeze %dma_start3A_186 : memref<1x8x2048xf32, #tpu.memory_space<hbm>> -> memref<8x2048xf32, #tpu.memory_space<hbm>>
        tpu.enqueue_dma source(%dma_start3A_187 : memref<8x2048xf32, #tpu.memory_space<hbm>>) target(%arg12 : memref<8x2048xf32, #tpu.memory_space<vmem>>) target_semaphore(%arg16 : memref<!tpu.dma_semaphore, #tpu.memory_space<semaphore_mem>>)
      } else {
      }
      %mul3A_125 = arith.constant 2 : i32
      %mul3A_126 = arith.muli %scan3A_82, %mul3A_125 : i32
      %add3A_127 = arith.constant 1 : i32
      %add3A_128 = arith.addi %mul3A_126, %add3A_127 : i32
      %dma_wait3A_129 = arith.constant 0 : i32
      %dma_wait3A_130 = arith.constant 0 : i32
      %dma_wait3A_131 = arith.constant 0 : i32
      %dma_wait3A_132 = tpu.memref_slice %arg2[%dma_wait3A_129, %dma_wait3A_130, %dma_wait3A_131] : memref<4x2048x2048xf32, #tpu.memory_space<hbm>> -> memref<1x8x2048xf32, #tpu.memory_space<hbm>>
      %dma_wait3A_133 = tpu.memref_squeeze %dma_wait3A_132 : memref<1x8x2048xf32, #tpu.memory_space<hbm>> -> memref<8x2048xf32, #tpu.memory_space<hbm>>
      %dma_wait3A_134 = arith.constant 0 : i32
      %dma_wait3A_135 = arith.constant 0 : i32
      %dma_wait3A_136 = tpu.memref_slice %arg2[%dma_wait3A_129, %dma_wait3A_134, %dma_wait3A_135] : memref<4x2048x2048xf32, #tpu.memory_space<hbm>> -> memref<1x8x2048xf32, #tpu.memory_space<hbm>>
      %dma_wait3A_137 = tpu.memref_squeeze %dma_wait3A_136 : memref<1x8x2048xf32, #tpu.memory_space<hbm>> -> memref<8x2048xf32, #tpu.memory_space<hbm>>
      tpu.wait_dma2 semaphore(%arg17 : memref<!tpu.dma_semaphore, #tpu.memory_space<semaphore_mem>>) src(%dma_wait3A_137 : memref<8x2048xf32, #tpu.memory_space<hbm>>) dst(%arg11 : memref<8x2048xf32, #tpu.memory_space<vmem>>)
      %dma_wait3A_138 = arith.constant 0 : i32
      %dma_wait3A_139 = arith.constant 0 : i32
      %dma_wait3A_140 = arith.constant 0 : i32
      %dma_wait3A_141 = tpu.memref_slice %arg3[%dma_wait3A_138, %dma_wait3A_139, %dma_wait3A_140] : memref<4x2048x2048xf32, #tpu.memory_space<hbm>> -> memref<1x8x2048xf32, #tpu.memory_space<hbm>>
      %dma_wait3A_142 = tpu.memref_squeeze %dma_wait3A_141 : memref<1x8x2048xf32, #tpu.memory_space<hbm>> -> memref<8x2048xf32, #tpu.memory_space<hbm>>
      %dma_wait3A_143 = arith.constant 0 : i32
      %dma_wait3A_144 = arith.constant 0 : i32
      %dma_wait3A_145 = tpu.memref_slice %arg3[%dma_wait3A_138, %dma_wait3A_143, %dma_wait3A_144] : memref<4x2048x2048xf32, #tpu.memory_space<hbm>> -> memref<1x8x2048xf32, #tpu.memory_space<hbm>>
      %dma_wait3A_146 = tpu.memref_squeeze %dma_wait3A_145 : memref<1x8x2048xf32, #tpu.memory_space<hbm>> -> memref<8x2048xf32, #tpu.memory_space<hbm>>
      tpu.wait_dma2 semaphore(%arg17 : memref<!tpu.dma_semaphore, #tpu.memory_space<semaphore_mem>>) src(%dma_wait3A_146 : memref<8x2048xf32, #tpu.memory_space<hbm>>) dst(%arg13 : memref<8x2048xf32, #tpu.memory_space<vmem>>)
      %ge3A_147 = arith.constant 2 : i32
      %ge3A_148 = arith.cmpi sge, %add3A_128, %ge3A_147 : i32
      %convert_element_type3A_149 = arith.extui %ge3A_148 : i1 to i32
      %cond3A_150 = arith.constant 0 : i32
      %cond3A_151 = arith.cmpi ne, %convert_element_type3A_149, %cond3A_150 : i32
      scf.if %cond3A_151 {
        %dma_wait3A_171 = arith.constant 0 : i32
        %dma_wait3A_172 = arith.constant 0 : i32
        %dma_wait3A_173 = arith.constant 0 : i32
        %dma_wait3A_174 = tpu.memref_slice %arg5[%dma_wait3A_171, %dma_wait3A_172, %dma_wait3A_173] : memref<4x2048x2048xf32, #tpu.memory_space<hbm>> -> memref<1x8x2048xf32, #tpu.memory_space<hbm>>
        %dma_wait3A_175 = tpu.memref_squeeze %dma_wait3A_174 : memref<1x8x2048xf32, #tpu.memory_space<hbm>> -> memref<8x2048xf32, #tpu.memory_space<hbm>>
        %dma_wait3A_176 = arith.constant 0 : i32
        %dma_wait3A_177 = arith.constant 0 : i32
        %dma_wait3A_178 = tpu.memref_slice %arg5[%dma_wait3A_171, %dma_wait3A_176, %dma_wait3A_177] : memref<4x2048x2048xf32, #tpu.memory_space<hbm>> -> memref<1x8x2048xf32, #tpu.memory_space<hbm>>
        %dma_wait3A_179 = tpu.memref_squeeze %dma_wait3A_178 : memref<1x8x2048xf32, #tpu.memory_space<hbm>> -> memref<8x2048xf32, #tpu.memory_space<hbm>>
        tpu.wait_dma2 semaphore(%arg19 : memref<!tpu.dma_semaphore, #tpu.memory_space<semaphore_mem>>) src(%arg15 : memref<8x2048xf32, #tpu.memory_space<vmem>>) dst(%dma_wait3A_179 : memref<8x2048xf32, #tpu.memory_space<hbm>>)
      } else {
      }
      %parallel_loop3A_152 = arith.constant 0 : i32
      %parallel_loop3A_153 = arith.constant 1024 : i32
      %parallel_loop3A_154 = arith.constant 1 : i32
      scf.for %parallel_loop3A_171 = %parallel_loop3A_152 to %parallel_loop3A_153 step %parallel_loop3A_154  : i32 {
        %parallel_loop3A_172 = arith.constant 128 : i32
        %parallel_loop3A_173 = arith.divsi %parallel_loop3A_171, %parallel_loop3A_172 : i32
        %parallel_loop3A_174 = arith.constant 0 : i32
        %parallel_loop3A_175 = arith.cmpi sgt, %parallel_loop3A_171, %parallel_loop3A_174 : i32
        %parallel_loop3A_176 = arith.extui %parallel_loop3A_175 : i1 to i32
        %parallel_loop3A_177 = arith.constant 0 : i32
        %parallel_loop3A_178 = arith.cmpi slt, %parallel_loop3A_171, %parallel_loop3A_177 : i32
        %parallel_loop3A_179 = arith.extui %parallel_loop3A_178 : i1 to i32
        %parallel_loop3A_180 = arith.subi %parallel_loop3A_176, %parallel_loop3A_179 : i32
        %parallel_loop3A_181 = arith.constant 0 : i32
        %parallel_loop3A_182 = arith.cmpi sgt, %parallel_loop3A_172, %parallel_loop3A_181 : i32
        %parallel_loop3A_183 = arith.extui %parallel_loop3A_182 : i1 to i32
        %parallel_loop3A_184 = arith.constant 0 : i32
        %parallel_loop3A_185 = arith.cmpi slt, %parallel_loop3A_172, %parallel_loop3A_184 : i32
        %parallel_loop3A_186 = arith.extui %parallel_loop3A_185 : i1 to i32
        %parallel_loop3A_187 = arith.subi %parallel_loop3A_183, %parallel_loop3A_186 : i32
        %parallel_loop3A_188 = arith.cmpi ne, %parallel_loop3A_180, %parallel_loop3A_187 : i32
        %parallel_loop3A_189 = arith.remsi %parallel_loop3A_171, %parallel_loop3A_172 : i32
        %parallel_loop3A_190 = arith.constant 0 : i32
        %parallel_loop3A_191 = arith.cmpi ne, %parallel_loop3A_189, %parallel_loop3A_190 : i32
        %parallel_loop3A_192 = arith.andi %parallel_loop3A_188, %parallel_loop3A_191 : i1
        %parallel_loop3A_193 = arith.constant 1 : i32
        %parallel_loop3A_194 = arith.subi %parallel_loop3A_173, %parallel_loop3A_193 : i32
        %parallel_loop3A_195 = arith.select %parallel_loop3A_192, %parallel_loop3A_194, %parallel_loop3A_173 : i32
        %parallel_loop3A_196 = arith.constant 128 : i32
        %parallel_loop3A_197 = arith.constant 0 : i32
        %parallel_loop3A_198 = arith.cmpi eq, %parallel_loop3A_196, %parallel_loop3A_197 : i32
        %parallel_loop3A_199 = arith.constant 1 : i32
        %parallel_loop3A_200 = arith.select %parallel_loop3A_198, %parallel_loop3A_199, %parallel_loop3A_196 : i32
        %parallel_loop3A_201 = arith.remsi %parallel_loop3A_171, %parallel_loop3A_200 : i32
        %parallel_loop3A_202 = arith.constant 0 : i32
        %parallel_loop3A_203 = arith.cmpi ne, %parallel_loop3A_201, %parallel_loop3A_202 : i32
        %parallel_loop3A_204 = arith.constant 0 : i32
        %parallel_loop3A_205 = arith.cmpi slt, %parallel_loop3A_201, %parallel_loop3A_204 : i32
        %parallel_loop3A_206 = arith.constant 0 : i32
        %parallel_loop3A_207 = arith.cmpi slt, %parallel_loop3A_200, %parallel_loop3A_206 : i32
        %parallel_loop3A_208 = arith.xori %parallel_loop3A_205, %parallel_loop3A_207 : i1
        %parallel_loop3A_209 = arith.andi %parallel_loop3A_208, %parallel_loop3A_203 : i1
        %parallel_loop3A_210 = arith.addi %parallel_loop3A_201, %parallel_loop3A_200 : i32
        %parallel_loop3A_211 = arith.select %parallel_loop3A_209, %parallel_loop3A_210, %parallel_loop3A_201 : i32
        %parallel_loop3A_212 = arith.constant 16 : i32
        %parallel_loop3A_213 = arith.muli %parallel_loop3A_211, %parallel_loop3A_212 : i32
        %parallel_loop3A_214 = tpu.assume_multiple %parallel_loop3A_213, 16 : i32
        %parallel_loop3A_215 = arith.index_cast %parallel_loop3A_195 : i32 to index
        %parallel_loop3A_216 = arith.index_cast %parallel_loop3A_214 : i32 to index
        %parallel_loop3A_217 = tpu.vector_load %arg11[%parallel_loop3A_215, %parallel_loop3A_216] {strides = array<i32>} : memref<8x2048xf32, #tpu.memory_space<vmem>>, vector<16xf32>,
        %parallel_loop3A_218 = arith.index_cast %parallel_loop3A_195 : i32 to index
        %parallel_loop3A_219 = arith.index_cast %parallel_loop3A_214 : i32 to index
        %parallel_loop3A_220 = tpu.vector_load %arg13[%parallel_loop3A_218, %parallel_loop3A_219] {strides = array<i32>} : memref<8x2048xf32, #tpu.memory_space<vmem>>, vector<16xf32>,
        %parallel_loop3A_221 = arith.constant 0.000000e+00 : f32
        %parallel_loop3A_222 = vector.broadcast %parallel_loop3A_221 : f32 to vector<16xf32>
        %parallel_loop3A_223 = arith.maximumf %parallel_loop3A_217, %parallel_loop3A_222 : vector<16xf32>
        %parallel_loop3A_224 = arith.constant 6.250000e-03 : f32
        %parallel_loop3A_225 = vector.broadcast %parallel_loop3A_224 : f32 to vector<16xf32>
        %parallel_loop3A_226 = arith.mulf %parallel_loop3A_223, %parallel_loop3A_225 : vector<16xf32>
        %parallel_loop3A_227 = arith.constant 6.300000e+01 : f32
        %parallel_loop3A_228 = vector.broadcast %parallel_loop3A_227 : f32 to vector<16xf32>
        %parallel_loop3A_229 = arith.minimumf %parallel_loop3A_226, %parallel_loop3A_228 : vector<16xf32>
        %parallel_loop3A_230 = arith.constant 0.000000e+00 : f32
        %parallel_loop3A_231 = vector.broadcast %parallel_loop3A_230 : f32 to vector<16xf32>
        %parallel_loop3A_232 = arith.maximumf %parallel_loop3A_220, %parallel_loop3A_231 : vector<16xf32>
        %parallel_loop3A_233 = arith.constant 3.150000e-01 : f32
        %parallel_loop3A_234 = vector.broadcast %parallel_loop3A_233 : f32 to vector<16xf32>
        %parallel_loop3A_235 = arith.mulf %parallel_loop3A_232, %parallel_loop3A_234 : vector<16xf32>
        %parallel_loop3A_236 = arith.constant 6.300000e+01 : f32
        %parallel_loop3A_237 = vector.broadcast %parallel_loop3A_236 : f32 to vector<16xf32>
        %parallel_loop3A_238 = arith.minimumf %parallel_loop3A_235, %parallel_loop3A_237 : vector<16xf32>
        %parallel_loop3A_239 = arith.fptosi %parallel_loop3A_229 : vector<16xf32> to vector<16xi32>
        %parallel_loop3A_240 = arith.fptosi %parallel_loop3A_238 : vector<16xf32> to vector<16xi32>
        %parallel_loop3A_241 = tpu.vector_load_idx %arg6[%parallel_loop3A_239] : memref<64xf32, #tpu.memory_space<vmem>>[vector<16xi32>], vector<16xf32>,
        %parallel_loop3A_242 = tpu.vector_load_idx %arg7[%parallel_loop3A_239] : memref<64xf32, #tpu.memory_space<vmem>>[vector<16xi32>], vector<16xf32>,
        %parallel_loop3A_243 = tpu.vector_load_idx %arg8[%parallel_loop3A_240] : memref<64xf32, #tpu.memory_space<vmem>>[vector<16xi32>], vector<16xf32>,
        %parallel_loop3A_244 = tpu.vector_load_idx %arg9[%parallel_loop3A_240] : memref<64xf32, #tpu.memory_space<vmem>>[vector<16xi32>], vector<16xf32>,
        %parallel_loop3A_245 = arith.mulf %parallel_loop3A_229, %parallel_loop3A_242 : vector<16xf32>
        %parallel_loop3A_246 = arith.addf %parallel_loop3A_241, %parallel_loop3A_245 : vector<16xf32>
        %parallel_loop3A_247 = arith.mulf %parallel_loop3A_238, %parallel_loop3A_244 : vector<16xf32>
        %parallel_loop3A_248 = arith.addf %parallel_loop3A_243, %parallel_loop3A_247 : vector<16xf32>
        %parallel_loop3A_249 = arith.addf %parallel_loop3A_246, %parallel_loop3A_248 : vector<16xf32>
        %parallel_loop3A_250 = arith.index_cast %parallel_loop3A_195 : i32 to index
        %parallel_loop3A_251 = arith.index_cast %parallel_loop3A_214 : i32 to index
        %parallel_loop3A_252 = tpu.vector_load %arg15[%parallel_loop3A_250, %parallel_loop3A_251] {strides = array<i32>} : memref<8x2048xf32, #tpu.memory_space<vmem>>, vector<16xf32>,
        tpu.vector_store %arg15[%parallel_loop3A_250, %parallel_loop3A_251], %parallel_loop3A_249 {strides = array<i32>} : memref<8x2048xf32, #tpu.memory_space<vmem>>, vector<16xf32>,
      } {sc.loop_unroll_factor = 8 : i64, sc.parallel_access}
      %mul3A_155 = arith.constant 8 : i32
      %mul3A_156 = arith.muli %add3A_128, %mul3A_155 : i32
      %add3A_157 = arith.addi %mul3A_32, %mul3A_156 : i32
      %dma_start3A_158 = arith.constant 0 : i32
      %dma_start3A_159 = tpu.memref_slice %arg5[%select_n3A, %add3A_157, %dma_start3A_158] : memref<4x2048x2048xf32, #tpu.memory_space<hbm>> -> memref<1x8x2048xf32, #tpu.memory_space<hbm>>
      %dma_start3A_160 = tpu.memref_squeeze %dma_start3A_159 : memref<1x8x2048xf32, #tpu.memory_space<hbm>> -> memref<8x2048xf32, #tpu.memory_space<hbm>>
      %dma_start3A_161 = arith.constant 0 : i32
      %dma_start3A_162 = tpu.memref_slice %arg5[%select_n3A, %add3A_157, %dma_start3A_161] : memref<4x2048x2048xf32, #tpu.memory_space<hbm>> -> memref<1x8x2048xf32, #tpu.memory_space<hbm>>
      %dma_start3A_163 = tpu.memref_squeeze %dma_start3A_162 : memref<1x8x2048xf32, #tpu.memory_space<hbm>> -> memref<8x2048xf32, #tpu.memory_space<hbm>>
      tpu.enqueue_dma source(%arg15 : memref<8x2048xf32, #tpu.memory_space<vmem>>) target(%dma_start3A_163 : memref<8x2048xf32, #tpu.memory_space<hbm>>) target_semaphore(%arg19 : memref<!tpu.dma_semaphore, #tpu.memory_space<semaphore_mem>>)
      %add3A_164 = arith.constant 2 : i32
      %add3A_165 = arith.addi %add3A_128, %add3A_164 : i32
      %lt3A_166 = arith.constant 32 : i32
      %lt3A_167 = arith.cmpi slt, %add3A_165, %lt3A_166 : i32
      %convert_element_type3A_168 = arith.extui %lt3A_167 : i1 to i32
      %cond3A_169 = arith.constant 0 : i32
      %cond3A_170 = arith.cmpi ne, %convert_element_type3A_168, %cond3A_169 : i32
      scf.if %cond3A_170 {
        %add3A_171 = arith.constant 2 : i32
        %add3A_172 = arith.addi %add3A_128, %add3A_171 : i32
        %mul3A_173 = arith.constant 8 : i32
        %mul3A_174 = arith.muli %add3A_172, %mul3A_173 : i32
        %add3A_175 = arith.addi %mul3A_32, %mul3A_174 : i32
        %dma_start3A_176 = arith.constant 0 : i32
        %dma_start3A_177 = tpu.memref_slice %arg2[%select_n3A, %add3A_175, %dma_start3A_176] : memref<4x2048x2048xf32, #tpu.memory_space<hbm>> -> memref<1x8x2048xf32, #tpu.memory_space<hbm>>
        %dma_start3A_178 = tpu.memref_squeeze %dma_start3A_177 : memref<1x8x2048xf32, #tpu.memory_space<hbm>> -> memref<8x2048xf32, #tpu.memory_space<hbm>>
        %dma_start3A_179 = arith.constant 0 : i32
        %dma_start3A_180 = tpu.memref_slice %arg2[%select_n3A, %add3A_175, %dma_start3A_179] : memref<4x2048x2048xf32, #tpu.memory_space<hbm>> -> memref<1x8x2048xf32, #tpu.memory_space<hbm>>
        %dma_start3A_181 = tpu.memref_squeeze %dma_start3A_180 : memref<1x8x2048xf32, #tpu.memory_space<hbm>> -> memref<8x2048xf32, #tpu.memory_space<hbm>>
        tpu.enqueue_dma source(%dma_start3A_181 : memref<8x2048xf32, #tpu.memory_space<hbm>>) target(%arg11 : memref<8x2048xf32, #tpu.memory_space<vmem>>) target_semaphore(%arg17 : memref<!tpu.dma_semaphore, #tpu.memory_space<semaphore_mem>>)
        %dma_start3A_182 = arith.constant 0 : i32
        %dma_start3A_183 = tpu.memref_slice %arg3[%select_n3A, %add3A_175, %dma_start3A_182] : memref<4x2048x2048xf32, #tpu.memory_space<hbm>> -> memref<1x8x2048xf32, #tpu.memory_space<hbm>>
        %dma_start3A_184 = tpu.memref_squeeze %dma_start3A_183 : memref<1x8x2048xf32, #tpu.memory_space<hbm>> -> memref<8x2048xf32, #tpu.memory_space<hbm>>
        %dma_start3A_185 = arith.constant 0 : i32
        %dma_start3A_186 = tpu.memref_slice %arg3[%select_n3A, %add3A_175, %dma_start3A_185] : memref<4x2048x2048xf32, #tpu.memory_space<hbm>> -> memref<1x8x2048xf32, #tpu.memory_space<hbm>>
        %dma_start3A_187 = tpu.memref_squeeze %dma_start3A_186 : memref<1x8x2048xf32, #tpu.memory_space<hbm>> -> memref<8x2048xf32, #tpu.memory_space<hbm>>
        tpu.enqueue_dma source(%dma_start3A_187 : memref<8x2048xf32, #tpu.memory_space<hbm>>) target(%arg13 : memref<8x2048xf32, #tpu.memory_space<vmem>>) target_semaphore(%arg17 : memref<!tpu.dma_semaphore, #tpu.memory_space<semaphore_mem>>)
      } else {
      }
    }
    %scan3A_64 = arith.constant 16 : i32
    %dma_wait3A = arith.constant 0 : i32
    %dma_wait3A_65 = arith.constant 0 : i32
    %dma_wait3A_66 = arith.constant 0 : i32
    %dma_wait3A_67 = tpu.memref_slice %arg5[%dma_wait3A, %dma_wait3A_65, %dma_wait3A_66] : memref<4x2048x2048xf32, #tpu.memory_space<hbm>> -> memref<1x8x2048xf32, #tpu.memory_space<hbm>>
    %dma_wait3A_68 = tpu.memref_squeeze %dma_wait3A_67 : memref<1x8x2048xf32, #tpu.memory_space<hbm>> -> memref<8x2048xf32, #tpu.memory_space<hbm>>
    %dma_wait3A_69 = arith.constant 0 : i32
    %dma_wait3A_70 = arith.constant 0 : i32
    %dma_wait3A_71 = tpu.memref_slice %arg5[%dma_wait3A, %dma_wait3A_69, %dma_wait3A_70] : memref<4x2048x2048xf32, #tpu.memory_space<hbm>> -> memref<1x8x2048xf32, #tpu.memory_space<hbm>>
    %dma_wait3A_72 = tpu.memref_squeeze %dma_wait3A_71 : memref<1x8x2048xf32, #tpu.memory_space<hbm>> -> memref<8x2048xf32, #tpu.memory_space<hbm>>
    tpu.wait_dma2 semaphore(%arg18 : memref<!tpu.dma_semaphore, #tpu.memory_space<semaphore_mem>>) src(%arg14 : memref<8x2048xf32, #tpu.memory_space<vmem>>) dst(%dma_wait3A_72 : memref<8x2048xf32, #tpu.memory_space<hbm>>)
    %dma_wait3A_73 = arith.constant 0 : i32
    %dma_wait3A_74 = arith.constant 0 : i32
    %dma_wait3A_75 = arith.constant 0 : i32
    %dma_wait3A_76 = tpu.memref_slice %arg5[%dma_wait3A_73, %dma_wait3A_74, %dma_wait3A_75] : memref<4x2048x2048xf32, #tpu.memory_space<hbm>> -> memref<1x8x2048xf32, #tpu.memory_space<hbm>>
    %dma_wait3A_77 = tpu.memref_squeeze %dma_wait3A_76 : memref<1x8x2048xf32, #tpu.memory_space<hbm>> -> memref<8x2048xf32, #tpu.memory_space<hbm>>
    %dma_wait3A_78 = arith.constant 0 : i32
    %dma_wait3A_79 = arith.constant 0 : i32
    %dma_wait3A_80 = tpu.memref_slice %arg5[%dma_wait3A_73, %dma_wait3A_78, %dma_wait3A_79] : memref<4x2048x2048xf32, #tpu.memory_space<hbm>> -> memref<1x8x2048xf32, #tpu.memory_space<hbm>>
    %dma_wait3A_81 = tpu.memref_squeeze %dma_wait3A_80 : memref<1x8x2048xf32, #tpu.memory_space<hbm>> -> memref<8x2048xf32, #tpu.memory_space<hbm>>
    tpu.wait_dma2 semaphore(%arg19 : memref<!tpu.dma_semaphore, #tpu.memory_space<semaphore_mem>>) src(%arg15 : memref<8x2048xf32, #tpu.memory_space<vmem>>) dst(%dma_wait3A_81 : memref<8x2048xf32, #tpu.memory_space<hbm>>)
    return
  }
}

</mosaic_0001>

<sc_bundles>
// kernel: kernel.3.cloned.1.call-start
scs
__scs_entry_jumppad:
0x0: {  	(pc) =	sbr.rel $0x88, $3  }
0x1: {  	(tag) =	ssettag $0x0;
	lr =	simm.s32 $0x1  }
0x2: {  	[smem:$0x3F9D] =	sst lr;
	_ =	strace $0xD0000000  }
0x3: {  	_ = 	snop  }
0x4: {  	_ = 	snop  }
0x5: {  	_ = 	snop  }
0x6: {  	_ = 	snop  }
0x7: {  	_ = 	snop  }
__scs_overlays_trampoline_lowered:
0x8: {  	[smem:$0x3FAC] =	sst s0  }
0x9: {  	[smem:$0x3FAD] =	sst s1  }
0xa: {  	[smem:$0x3FAE] =	sst s2  }
0xb: {  	[smem:$0x3FAF] =	sst s3  }
0xc: {  	[smem:$0x3FB0] =	sst s4  }
0xd: {  	[smem:$0x3FB1] =	sst s5  }
0xe: {  	[smem:$0x3FB2] =	sst s6  }
0xf: {  	[smem:$0x3FB3] =	sst s7  }
0x10: {  	[smem:$0x3FB4] =	sst s8  }
0x11: {  	[smem:$0x3FB5] =	sst s9;
	s0 =	simm.s32 @!p0 $0x0  }
0x12: {  	s1 =	sld [smem:$0x3F9B];
	s0 =	simm.s32 @p0 $0x1  }
0x13: {  	[smem:$0x3FB6] =	sst s0;
	s0 =	simm.s32 @!p1 $0x0  }
0x14: {  	s2 =	sld [smem:$0x3F9A];
	s0 =	simm.s32 @p1 $0x1  }
0x15: {  	[smem:$0x3FB7] =	sst s0;
	s0 =	simm.s32 @!p2 $0x0  }
0x16: {  	s3 =	sld [smem:$0x3FDB];
	s0 =	simm.s32 @p2 $0x1  }
0x17: {  	s4 =	simm.s32 $0x1BF5;
	[smem:$0x3FB9] =	sst s0  }
0x18: {  	s0 =	sld [smem:$0x3F9C];
	_ =	swait.ge [sflag:s4], $0x0  }
0x19: {  	s7 =	sld [smem:$0x3F9D]  }
0x1a: {  	s8 =	sadd.s32 $0xFFFFE003, lr  }
0x1b: {  	s9 =	sadd.s32 $0xFFFFFEF7, lr;
	s5 =	simm.s32 $0xFFFFFFFF;
	p2 =	slt.u32 s8, $0xFFFFF086  }
0x1c: {  	p1 =	slt.u32 s9, $0xF7A;
	s5 =	simm.s32 @!p2 $0x0  }
0x1d: {  	s5 =	simm.s32 @p1 $0x1;
	p0 =	seq.s32 s7, s2  }
0x1e: {  	s7 =	smul.u32 @!p0 $0xF7A, s2;
	p2 =	seq.s32 @!p0 s5, $0x0  }
0x1f: {  	s9 =	smul.u32 $0xF7A, s1;
	s8 =	simm.s32 @!p0 $0x1BF5;
	p2 =	por !p2, p0  }
0x20: {  	[sflag:s8] =	ssyncset.s32 @!p0 $0xFFFFF086;
	s6 =	sadd.s32 @!p0 s3, s7;
	s7 =	simm.s32 @!p0 $0x108  }
0x21: {  	s3 =	sadd.s32 s3, s9;
	s6 =	sadd.s32 @!p0 $0x88, s6;
	s7 =	simm.s32 @p2 $0x1082  }
0x22: {  	[simem:s7], [sflag:s8] =	dma.local @!p0 [hbm:s6], $0xF7A  }
0x23: {  	s9 =	sor.u32 $0xD0000000, s2;
	s6 =	simm.s32 $0x108;
	_ =	swait.ge @!p0 [sflag:s8], $0x0  }
0x24: {  	s3 =	sadd.s32 $0x88, s3;
	s6 =	simm.s32 @!p1 $0x1082;
	[sflag:s4] =	ssyncset.s32 $0xFFFFF086  }
0x25: {  	[simem:s6], [sflag:s4] =	dma.local [hbm:s3], $0xF7A  }
0x26: {  	[smem:$0x3F9D] =	sst s1;
	(tag) =	ssettag s2;
	_ =	strace s9  }
0x27: {  	s1 =	sld [smem:$0x3FAD]  }
0x28: {  	s2 =	sld [smem:$0x3FAE]  }
0x29: {  	s4 =	sld [smem:$0x3FB0]  }
0x2a: {  	p0 =	seq.s32 s5, $0x0;
	s5 =	sld [smem:$0x3FB1]  }
0x2b: {  	s6 =	sld [smem:$0x3FB2]  }
0x2c: {  	s7 =	sld [smem:$0x3FB3]  }
0x2d: {  	s3 =	simm.s32 $0x108;
	s8 =	sld [smem:$0x3FB4]  }
0x2e: {  	s3 =	simm.s32 @!p0 $0x1082;
	s9 =	sld [smem:$0x3FB5]  }
0x2f: {  	lr =	sadd.s32 s0, s3;
	s0 =	sld [smem:$0x3FAC]  }
0x30: {  	s3 =	sld [smem:$0x3FAF]  }
0x31: {  	[smem:$0x3FB8] =	sst s10  }
0x32: {  	s10 =	sld [smem:$0x3FB6];
	_ =	sdelay $0x3  }
0x33: {  	p0 =	seq.s32 s10, $0x1;
	s10 =	sld [smem:$0x3FB8];
	_ =	sdelay $0x3  }
0x34: {  	[smem:$0x3FB8] =	sst s10  }
0x35: {  	s10 =	sld [smem:$0x3FB7];
	_ =	sdelay $0x3  }
0x36: {  	p1 =	seq.s32 s10, $0x1;
	s10 =	sld [smem:$0x3FB8];
	_ =	sdelay $0x3  }
0x37: {  	[smem:$0x3FB8] =	sst s10  }
0x38: {  	s10 =	sld [smem:$0x3FB9]  }
0x39: {  	_ = 	snop;
	(pc) =	sbr.ind lr, $3  }
0x3a: {  	_ = 	snop  }
0x3b: {  	_ = 	snop  }
0x3c: {  	p2 =	seq.s32 s10, $0x1;
	s10 =	sld [smem:$0x3FB8]  }
0x3d: {  	_ =	shalt  }
0x3e: {  	_ =	shalt  }
0x3f: {  	_ =	shalt  }
0x40: {  	_ =	shalt  }
0x41: {  	_ =	shalt  }
0x42: {  	_ =	shalt  }
0x43: {  	_ =	shalt  }
0x44: {  	_ =	shalt  }
0x45: {  	_ =	shalt  }
0x46: {  	_ =	shalt  }
0x47: {  	_ =	shalt  }
0x48: {  	_ =	shalt  }
0x49: {  	_ =	shalt  }
0x4a: {  	_ =	shalt  }
0x4b: {  	_ =	shalt  }
0x4c: {  	_ =	shalt  }
0x4d: {  	_ =	shalt  }
0x4e: {  	_ =	shalt  }
0x4f: {  	_ =	shalt  }
0x50: {  	_ =	shalt  }
0x51: {  	_ =	shalt  }
0x52: {  	_ =	shalt  }
0x53: {  	_ =	shalt  }
0x54: {  	_ =	shalt  }
0x55: {  	_ =	shalt  }
0x56: {  	_ =	shalt  }
0x57: {  	_ =	shalt  }
0x58: {  	_ =	shalt  }
0x59: {  	_ =	shalt  }
0x5a: {  	_ =	shalt  }
0x5b: {  	_ =	shalt  }
0x5c: {  	_ =	shalt  }
0x5d: {  	_ =	shalt  }
0x5e: {  	_ =	shalt  }
0x5f: {  	_ =	shalt  }
0x60: {  	_ =	shalt  }
0x61: {  	_ =	shalt  }
0x62: {  	_ =	shalt  }
0x63: {  	_ =	shalt  }
0x64: {  	_ =	shalt  }
0x65: {  	_ =	shalt  }
0x66: {  	_ =	shalt  }
0x67: {  	_ =	shalt  }
0x68: {  	_ =	shalt  }
0x69: {  	_ =	shalt  }
0x6a: {  	_ =	shalt  }
0x6b: {  	_ =	shalt  }
0x6c: {  	_ =	shalt  }
0x6d: {  	_ =	shalt  }
0x6e: {  	_ =	shalt  }
0x6f: {  	_ =	shalt  }
0x70: {  	_ =	shalt  }
0x71: {  	_ =	shalt  }
0x72: {  	_ =	shalt  }
0x73: {  	_ =	shalt  }
0x74: {  	_ =	shalt  }
0x75: {  	_ =	shalt  }
0x76: {  	_ =	shalt  }
0x77: {  	_ =	shalt  }
0x78: {  	_ =	shalt  }
0x79: {  	_ =	shalt  }
0x7a: {  	_ =	shalt  }
0x7b: {  	_ =	shalt  }
0x7c: {  	_ =	shalt  }
0x7d: {  	_ =	shalt  }
0x7e: {  	_ =	shalt  }
0x7f: {  	_ =	shalt  }
0x80: {  	_ =	shalt  }
0x81: {  	_ =	shalt  }
0x82: {  	_ =	shalt  }
0x83: {  	_ =	shalt  }
0x84: {  	_ =	shalt  }
0x85: {  	_ =	shalt  }
0x86: {  	_ =	shalt  }
0x87: {  	_ =	shalt  }
.Lfunc_end0:
.L_simem_size_0:
called_computation_lowered:
.L_overlay_start_0:
0x88: {  	s2 =	sld [smem:$0x3FD9]  }
0x89: {  	s3 =	sld [smem:$0x3FFE];
	_ =	sdelay $0x1  }
0x8a: {  	s1 =	srdreg.scid  }
0x8b: {  	s0 =	sand.u32 $0x1, s1  }
0x8c: {  	s17 =	sshll.u32 s0, $0xA;
	s2 =	sadd.s32 s3, s2  }
0x8d: {  	s2 =	sadd.s32 s2, s17  }
0x8e: {  	[smem:$0x3FC4] =	sst s2  }
0x8f: {  	_ = 	snop  }
0x90: {  	s2 =	sld [smem:$0x3FC9]  }
0x91: {  	s18 =	sld [smem:$0x3FC8]  }
0x92: {  	s4 =	sld [smem:$0x3FD0];
	(tm) =	ssettm $0x1  }
0x93: {  	s5 =	sld [smem:$0x3FFB];
	_ =	sdelay $0x3  }
0x94: {  	_ =	strace s5  }
0x95: {  	s5 =	sld [smem:$0x3FFC];
	_ =	sdelay $0x3  }
0x96: {  	_ =	strace s5  }
0x97: {  	s5 =	sld [smem:$0x3FFD];
	_ =	sdelay $0x3  }
0x98: {  	_ =	strace s5  }
0x99: {  	_ =	strace $0x8FFFFFFF  }
0x9a: {  	s19 =	sld [smem:$0x3FDB];
	_ =	sdelay $0x1  }
0x9b: {  	s6 =	simm.s32 $_scs_section_size  }
0x9c: {  	s7 =	simm.s32 $_size__tile_overlayer_lowered;
	s8 =	simm.s32 $_tile_overlayer_lowered  }
0x9d: {  	s22 =	simm.s32 $0x1BFF;
	s21 =	sshll.u32 s8, $0x1;
	s5 =	sadd.s32 s6, s19  }
0x9e: {  	s9 =	simm.s32 $0x0;
	s20 =	sshll.u32 s7, $0x1;
	s7 =	sadd.s32 s21, s5  }
0x9f: {  	[timem:s9], [sflag:s22] =	dma.local [hbm:s7], s20  }
0xa0: {  	_ =	swait.ge [sflag:s22], s20  }
0xa1: {  	s6 =	ssub.s32 $0x0, s20;
	[sflag:s22] =	ssyncset.done $0x0  }
0xa2: {  	[sflag:s22] =	ssyncadd.s32 s6;
	_ =	sdelay $0x1  }
0xa3: {  	s23 =	simm.s32 $0x1B8B  }
0xa4: {  	_ =	swait.ge [sflag:s23], $0x1  }
0xa5: {  	[sflag:s23] =	ssyncset.done $0x0  }
0xa6: {  	s25 =	simm.s32 $0x1B8E;
	s24 =	sld [smem:$0x3FFE];
	[sflag:s23] =	ssyncadd.s32 $0xFFFFFFFF  }
0xa7: {  	s26 =	simm.s32 $execute0_lowered;
	[smem:$0x3FD2] =	sst s25  }
0xa8: {  	s7 =	sshll.u32 s26, $0x1;
	_ =	strace $0x80000046;
	[dreg:$0x1] =	wrdreg $0xFFFFFFFF  }
0xa9: {  	s28 =	simm.s32 $_size_execute0_lowered;
	s5 =	sadd.s32 s5, s7;
	[dreg:$0x0] =	wrdreg $0x0  }
0xaa: {  	s7 =	sshll.u32 s28, $0x1;
	[dreg:$0x2] =	wrdreg s5  }
0xab: {  	[dreg:$0x3] =	wrdreg s7  }
0xac: {  	[dreg:$0x4] =	wrdreg $0xC0  }
0xad: {  	_ =	task [dreg:s9], $0x5FFFF  }
0xae: {  	[dreg:$0x1] =	wrdreg $0xFFFFFFFF  }
0xaf: {  	[dreg:$0x0] =	wrdreg $0x60  }
0xb0: {  	[dreg:$0x2] =	wrdreg s2  }
0xb1: {  	[dreg:$0x3] =	wrdreg s18  }
0xb2: {  	[dreg:$0x4] =	wrdreg s24  }
0xb3: {  	[dreg:$0x5] =	wrdreg s4  }
0xb4: {  	[dreg:$0x6] =	wrdreg $0x9  }
0xb5: {  	_ =	task.clear_ibuf [dreg:s9], $0x7FFFF;
	_ =	strace $0x90000046  }
0xb6: {  	s29 =	simm.s32 $0x9;
	_ =	strace $0x80000048  }
0xb7: {  	_ =	swait.ge [sflag:s29], $0x1  }
0xb8: {  	[sflag:s29] =	ssyncadd.s32 $0xFFFFFFFF  }
0xb9: {  	_ =	strace $0x90000048  }
0xba: {  	_ =	sfence  }
0xbb: {  	s30 =	sld [smem:$0x0];
	_ =	sdelay $0x2  }
0xbc: {  	s31 =	sshll.u32 s1, $0xD;
	s1 =	sshrl.u32 s1, $0x2  }
0xbd: {  	s3 =	sand.u32 $0x4000, s31;
	s1 =	sadd.s32 s1, s30  }
0xbe: {  	s0 =	sor.u32 s3, s0;
	s1 =	sshll.u32 s1, $0x11  }
0xbf: {  	s0 =	sor.u32 s1, s0  }
0xc0: {  	s0 =	sadd.s32 $0x8F2B, s0  }
0xc1: {  	[sflag:s0] =	ssyncadd.remote.s32 $0x1  }
0xc2: {  	_ =	sfence.sel $0xFFFF  }
0xc3: {  	[dreg:$0x0] =	wrdreg $0xFFFFFFFF;
	(pc) =	sbr.abs _section_cstart, $3  }
0xc4: {  	[dreg:$0x1] =	wrdreg $0xFFFFFFFF  }
0xc5: {  	_ =	task.clear_ibuf [dreg:s9], $0x2FFFF;
	_ =	strace $0x9FFFFFFF  }
0xc6: {  	(tm) =	ssettm $0x7FFFFFFF  }
0xc7: {  	_ =	shalt  }
tec
execute0_lowered:
.L_overlay_start_1:
0x0: {  	(tag) =	ssettag $0x1  }
0x1: {  	s1 =	rddreg [dreg:$0x0]  }
0x2: {  	s2 =	rddreg [dreg:$0x1]  }
0x3: {  	s0 =	rddreg [dreg:$0x2]  }
0x4: {  	s4 =	rddreg [dreg:$0x3]  }
0x5: {  	s5 =	simm.s32 $0x0;
	s8 =	stileid.u32;
	s3 =	srdreg.scid  }
0x6: {  	s28 =	simm.s32 $0x1;
	s29 =	simm.s32 $0x10200;
	s30 =	simm.s32 $0x2  }
0x7: {  	s31 =	simm.s32 $0x14200;
	[smem:$0x7FF] =	sst s5;
	s6 =	sshll.u32 s8, $0x1  }
0x8: {  	s7 =	sadd.s32 $0x600, s0;
	s3 =	sand.u32 $0x1, s3;
	s19 =	sshll.u32 s8, $0x14  }
0x9: {  	s21 =	sadd.s32 $0x608, s0;
	_ =	strace $0x80000047;
	[dreg:$0x5] =	wrdreg s7  }
0xa: {  	s22 =	sadd.s32 $0x610, s0;
	s0 =	sadd.s32 $0x618, s0;
	[dreg:$0x6] =	wrdreg s21  }
0xb: {  	s6 =	sand.u32 $0x6, s6;
	s18 =	ssub.s32 $0x2, s3;
	[dreg:$0x7] =	wrdreg s22  }
0xc: {  	[dreg:$0x8] =	wrdreg s0;
	s21 =	simm.s32 $0x100;
	s22 =	simm.s32 $0x180  }
0xd: {  	s3 =	sor.u32 s3, s6;
	s20 =	sshrl.u32 s18, $0x1;
	s6 =	sand.u32 $0xC00000, s19  }
0xe: {  	s19 =	simm.s32 $0x5;
	s3 =	sshll.u32 s3, $0x13;
	s7 =	ssub.s32 s18, s20  }
0xf: {  	s20 =	simm.s32 $0x80;
	s8 =	sor.u32 s6, s3;
	s18 =	smax.u32 s7, $0x1  }
0x10: {  	s3 =	simm.s32 $0x4;
	s23 =	sshrl.u32 s8, $0x3;
	s15 =	sor.u32 $0x4000, s8  }
.Ltmp0:
0x11: {  	s16 =	sor.u32 $0x8000, s8;
	s24 =	sadd.s32 s1, s23;
	(pc) =	sbr.rel .LBB2_1-.Ltmp0, $4  }
0x12: {  	s17 =	sor.u32 $0xC000, s8;
	s25 =	sadd.s32 s2, s23;
	[dreg:$0x9] =	wrdreg s24  }
0x13: {  	s0 =	sor.u32 $0x800, s23;
	s23 =	simm.s32 $0x0;
	[dreg:$0xa] =	wrdreg s25  }
0x14: {  	s26 =	sadd.s32 s1, s0;
	s14 =	sadd.s32 s2, s0;
	s25 =	simm.s32 $0x4200  }
0x15: {  	s0 =	simm.s32 $0x3;
	[dreg:$0xb] =	wrdreg s26;
	s26 =	simm.s32 $0xC200  }
.LBB2_8:
0x16: {  	s23 =	sadd.s32 $0x1, s23  }
0x17: {  	_ =	swait.ge [sflag:s0], $0x4000;
	p0 =	sne.s32 s23, s18  }
.Ltmp1:
0x18: {  	[sflag:s0] =	ssyncset.done $0x0;
	(pc) =	sbr.rel @!p0 .LBB2_9-.Ltmp1, $4  }
0x19: {  	[sflag:s0] =	ssyncadd.s32 $0xFFFFC000  }
0x1a: {  	_ =	swait.ge [sflag:s3], $0x4000  }
0x1b: {  	[sflag:s3] =	ssyncset.done $0x0  }
0x1c: {  	[sflag:s3] =	ssyncadd.s32 $0xFFFFC000  }
.LBB2_1:
0x1d: {  	s6 =	rddreg [dreg:$0x5]  }
0x1e: {  	[tilespmem:s5], [sflag:$0x5] =	stream.linear.gather [hbm4b:s6+s5], $0x40, $0x38;
	[tilespmem:$0x18200] =	vst v63  }
0x1f: {  	_ =	swait.ge [sflag:s19], $0x40  }
0x20: {  	[sflag:s19] =	ssyncset.done $0x0  }
0x21: {  	s7 =	rddreg [dreg:$0x6];
	[sflag:s19] =	ssyncadd.s32 $0xFFFFFFC0  }
0x22: {  	[tilespmem:s20], [sflag:$0x5] =	stream.linear.gather [hbm4b:s7+s5], $0x40, $0x38;
	[tilespmem:$0x18200] =	vst v63  }
0x23: {  	_ =	swait.ge [sflag:s19], $0x40  }
0x24: {  	[sflag:s19] =	ssyncset.done $0x0  }
0x25: {  	s9 =	rddreg [dreg:$0x7];
	[sflag:s19] =	ssyncadd.s32 $0xFFFFFFC0  }
0x26: {  	[tilespmem:s21], [sflag:$0x5] =	stream.linear.gather [hbm4b:s9+s5], $0x40, $0x38;
	[tilespmem:$0x18200] =	vst v63  }
0x27: {  	_ =	swait.ge [sflag:s19], $0x40  }
0x28: {  	[sflag:s19] =	ssyncset.done $0x0  }
0x29: {  	s10 =	rddreg [dreg:$0x8];
	[sflag:s19] =	ssyncadd.s32 $0xFFFFFFC0  }
0x2a: {  	[tilespmem:s22], [sflag:$0x5] =	stream.linear.gather [hbm4b:s10+s5], $0x40, $0x38;
	[tilespmem:$0x18200] =	vst v63  }
0x2b: {  	_ =	swait.ge [sflag:s19], $0x40  }
0x2c: {  	[sflag:s19] =	ssyncset.done $0x0  }
0x2d: {  	s7 =	simm.s32 $0x200;
	s11 =	rddreg [dreg:$0x9];
	[sflag:s19] =	ssyncadd.s32 $0xFFFFFFC0  }
0x2e: {  	[tilespmem:s7], [sflag:$0x1] =	stream.linear.gather [hbm4b:s11+s5], $0x4000, $0x38;
	[tilespmem:$0x18200] =	vst v63  }
0x2f: {  	s13 =	simm.s32 $0x8200;
	s12 =	rddreg [dreg:$0xa]  }
0x30: {  	[tilespmem:s13], [sflag:$0x1] =	stream.linear.gather [hbm4b:s12+s5], $0x4000, $0x38;
	[tilespmem:$0x18200] =	vst v63  }
0x31: {  	s24 =	rddreg [dreg:$0xb]  }
0x32: {  	[tilespmem:s25], [sflag:$0x2] =	stream.linear.gather [hbm4b:s24+s5], $0x4000, $0x38;
	[tilespmem:$0x18200] =	vst v63  }
0x33: {  	s24 =	simm.s32 $0x0  }
0x34: {  	[tilespmem:s26], [sflag:$0x2] =	stream.linear.gather [hbm4b:s14+s5], $0x4000, $0x38;
	[tilespmem:$0x18200] =	vst v63  }
.LBB2_2:
0x35: {  	_ =	swait.ge [sflag:s28], $0x4000  }
0x36: {  	[sflag:s28] =	ssyncset.done $0x0  }
0x37: {  	[sflag:s28] =	ssyncadd.s32 $0xFFFFC000  }
0x38: {  	_ =	swait.ge [sflag:s28], $0x4000  }
0x39: {  	p0 =	seq.s32 s24, $0x0;
	[sflag:s28] =	ssyncset.done $0x0  }
0x3a: {  	s6 =	simm.s32 @!p0 $0x3;
	[sflag:s28] =	ssyncadd.s32 $0xFFFFC000  }
0x3b: {  	s7 =	simm.s32 $0x0;
	s9 =	simm.s32 $0x0;
	_ =	swait.ge @!p0 [sflag:s6], $0x4000  }
0x3c: {  	s9 =	sand.u32 $0x380, s9;
	s7 =	sand.u32 $0x3C00, s7;
	[sflag:s6] =	ssyncset.done @!p0 $0x0  }
0x3d: {  	s7 =	sor.u32 s9, s7;
	[sflag:s6] =	ssyncadd.s32 @!p0 $0xFFFFC000  }
0x3e: {  	v0 =	vld [tilespmem:s7+$0x270]  }
0x3f: {  	v1 =	vld [tilespmem:s7+$0x8270]  }
0x40: {  	v2 =	vld [tilespmem:s7+$0x200]  }
0x41: {  	v3 =	vld [tilespmem:s7+$0x8200]  }
0x42: {  	v4 =	vld [tilespmem:s7+$0x210]  }
0x43: {  	v5 =	vld [tilespmem:s7+$0x8210]  }
0x44: {  	v6 =	vld [tilespmem:s7+$0x220]  }
0x45: {  	v7 =	vld [tilespmem:s7+$0x8220]  }
0x46: {  	v8 =	vld [tilespmem:s7+$0x230];
	v0 =	vmax.f32 v0, $0.0e+00  }
0x47: {  	v1 =	vmax.f32 v1, $0.0e+00;
	v2 =	vmax.f32 v2, $0.0e+00;
	v3 =	vmax.f32 v3, $0.0e+00  }
0x48: {  	v13 =	vld [tilespmem:s7+$0x8240];
	v4 =	vmax.f32 v4, $0.0e+00;
	v5 =	vmax.f32 v5, $0.0e+00;
	v0 =	vmul.f32 $6.250000090e-03, v0  }
0x49: {  	s10 =	simm.s32 $0x8;
	s11 =	simm.s32 $0x400;
	v9 =	vld [tilespmem:s7+$0x240];
	v6 =	vmax.f32 v6, $0.0e+00;
	v1 =	vmul.f32 $3.149999980e-01, v1;
	v2 =	vmul.f32 $6.250000090e-03, v2  }
0x4a: {  	s12 =	sand.u32 $0x380, s10;
	v17 =	vld [tilespmem:s7+$0x8250];
	v7 =	vmax.f32 v7, $0.0e+00;
	v3 =	vmul.f32 $3.149999980e-01, v3;
	v4 =	vmul.f32 $6.250000090e-03, v4  }
0x4b: {  	s13 =	sand.u32 $0x3C00, s11;
	v22 =	vld [tilespmem:s7+$0x260];
	v8 =	vmax.f32 v8, $0.0e+00;
	v5 =	vmul.f32 $3.149999980e-01, v5;
	v6 =	vmul.f32 $6.250000090e-03, v6  }
0x4c: {  	s9 =	sor.u32 s12, s13;
	v24 =	vld [tilespmem:s7+$0x8260];
	v7 =	vmul.f32 $3.149999980e-01, v7;
	v8 =	vmul.f32 $6.250000090e-03, v8;
	v10 =	vmin.f32 v0, $6.300000000e+01  }
0x4d: {  	v43 =	vld [tilespmem:s9+$0x270];
	v11 =	vmin.f32 v1, $6.300000000e+01;
	v15 =	vmin.f32 v2, $6.300000000e+01;
	v2 =	vmax.f32 v13, $0.0e+00  }
0x4e: {  	v45 =	vld [tilespmem:s9+$0x8270];
	v23 =	vmin.f32 v4, $6.300000000e+01;
	v1 =	vtrunc.f32 v10;
	v13 =	vmul.f32 $3.149999980e-01, v2  }
0x4f: {  	v0 =	vld [tilespmem:s7+$0x8230];
	v25 =	vmin.f32 v5, $6.300000000e+01;
	v2 =	vtrunc.f32 v23;
	v12 =	vcvt.f32.s32 v1  }
0x50: {  	v50 =	vld [tilespmem:s9+$0x200];
	v4 =	vtrunc.f32 v25;
	v1 =	vtrunc.f32 v11  }
0x51: {  	v7 =	vmin.f32 v7, $6.300000000e+01;
	v2 =	vcvt.f32.s32 v2;
	v14 =	vcvt.f32.s32 v1;
	v1 =	vld [tilespmem:s7+$0x250]  }
0x52: {  	v54 =	vld [tilespmem:s9+$0x240];
	v29 =	vmin.f32 v6, $6.300000000e+01;
	v18 =	vcvt.f32.s32 v4;
	v4 =	vtrunc.f32 v7  }
0x53: {  	v56 =	vld [tilespmem:s9+$0x8240];
	v19 =	vmin.f32 v3, $6.300000000e+01;
	v5 =	vtrunc.f32 v29;
	v21 =	vcvt.f32.s32 v4  }
0x54: {  	v58 =	vld [tilespmem:s9+$0x260];
	v30 =	vmin.f32 v8, $6.300000000e+01;
	v20 =	vcvt.f32.s32 v5;
	v0 =	vmax.f32 v0, $0.0e+00  }
0x55: {  	v5 =	vtrunc.f32 v30;
	v16 =	vmul.f32 $3.149999980e-01, v0;
	v0 =	vmax.f32 v9, $0.0e+00;
	v26 =	vld.idx.msk [tilespmem:v12+s20+$0x0], $0xffff  }
0x56: {  	v8 =	vcvt.f32.s32 v5;
	v9 =	vmul.f32 $6.250000090e-03, v0;
	v0 =	vmax.f32 v1, $0.0e+00;
	v12 =	vld.idx.msk [tilespmem:v12+s5+$0x0], $0xffff  }
0x57: {  	v1 =	vtrunc.f32 v19;
	v36 =	vld.idx.msk [tilespmem:v2+s20+$0x0], $0xffff;
	v3 =	vmul.f32 $6.250000090e-03, v0  }
0x58: {  	v31 =	vmin.f32 v16, $6.300000000e+01;
	v37 =	vld.idx.msk [tilespmem:v18+s22+$0x0], $0xffff;
	v0 =	vtrunc.f32 v15;
	v1 =	vcvt.f32.s32 v1  }
0x59: {  	v32 =	vmin.f32 v9, $6.300000000e+01;
	v4 =	vtrunc.f32 v31;
	v39 =	vld.idx.msk [tilespmem:v21+s22+$0x0], $0xffff;
	v0 =	vcvt.f32.s32 v0  }
0x5a: {  	v13 =	vmin.f32 v13, $6.300000000e+01;
	v38 =	vld.idx.msk [tilespmem:v20+s20+$0x0], $0xffff;
	v5 =	vtrunc.f32 v32;
	v9 =	vcvt.f32.s32 v4  }
0x5b: {  	v27 =	vld.idx.msk [tilespmem:v14+s22+$0x0], $0xffff;
	v35 =	vmin.f32 v3, $6.300000000e+01;
	v3 =	vtrunc.f32 v13;
	v16 =	vcvt.f32.s32 v5  }
0x5c: {  	v14 =	vld.idx.msk [tilespmem:v14+s21+$0x0], $0xffff;
	v5 =	vtrunc.f32 v35;
	v4 =	vcvt.f32.s32 v3  }
0x5d: {  	v3 =	vcvt.f32.s32 v5;
	v5 =	vmax.f32 v17, $0.0e+00;
	v17 =	vld.idx.msk [tilespmem:v8+s20+$0x0], $0xffff;
	v10 =	vmul.f32 v26, v10  }
0x5e: {  	v23 =	vmul.f32 v36, v23;
	v36 =	vmul.f32 v39, v7;
	v7 =	vld [tilespmem:s9+$0x8210]  }
0x5f: {  	v51 =	vmax.f32 v45, $0.0e+00;
	v6 =	vmax.f32 v22, $0.0e+00;
	v34 =	vld.idx.msk [tilespmem:v1+s22+$0x0], $0xffff  }
0x60: {  	v45 =	vmax.f32 v58, $0.0e+00;
	v6 =	vmul.f32 $6.250000090e-03, v6;
	v10 =	vadd.f32 v10, v12;
	v12 =	vld [tilespmem:s9+$0x210]  }
0x61: {  	v45 =	vmul.f32 $6.250000090e-03, v45;
	v22 =	vmax.f32 v24, $0.0e+00;
	v11 =	vmul.f32 v27, v11;
	v33 =	vld.idx.msk [tilespmem:v0+s20+$0x0], $0xffff  }
0x62: {  	v22 =	vmul.f32 $3.149999980e-01, v22;
	v6 =	vmin.f32 v6, $6.300000000e+01;
	v25 =	vmul.f32 v37, v25;
	v40 =	vld.idx.msk [tilespmem:v9+s22+$0x0], $0xffff  }
0x63: {  	v29 =	vmul.f32 v38, v29;
	v27 =	vtrunc.f32 v6;
	v11 =	vadd.f32 v11, v14;
	v14 =	vld [tilespmem:s9+$0x8220]  }
0x64: {  	v26 =	vmin.f32 v22, $6.300000000e+01;
	v37 =	vmul.f32 $3.149999980e-01, v51;
	v28 =	vcvt.f32.s32 v27;
	v24 =	vld.idx.msk [tilespmem:v16+s20+$0x0], $0xffff  }
0x65: {  	v53 =	vmax.f32 v50, $0.0e+00;
	v5 =	vmul.f32 $3.149999980e-01, v5;
	v44 =	vtrunc.f32 v26;
	v41 =	vld.idx.msk [tilespmem:v4+s22+$0x0], $0xffff  }
0x66: {  	v27 =	vcvt.f32.s32 v44;
	v37 =	vmin.f32 v37, $6.300000000e+01;
	v30 =	vmul.f32 v17, v30;
	v17 =	vld [tilespmem:s9+$0x220]  }
0x67: {  	v5 =	vmin.f32 v5, $6.300000000e+01;
	v55 =	vtrunc.f32 v37;
	v42 =	vld.idx.msk [tilespmem:v3+s20+$0x0], $0xffff;
	v34 =	vmul.f32 v34, v19  }
0x68: {  	v19 =	vmax.f32 v43, $0.0e+00;
	v43 =	vadd.f32 v11, v10;
	v10 =	vmul.f32 $6.250000090e-03, v53;
	v53 =	vld.idx.msk [tilespmem:v0+s5+$0x0], $0xffff  }
0x69: {  	v22 =	vtrunc.f32 v5;
	v7 =	vmax.f32 v7, $0.0e+00;
	v33 =	vmul.f32 v33, v15;
	v15 =	vld [tilespmem:s9+$0x8200]  }
0x6a: {  	v22 =	vcvt.f32.s32 v22;
	v7 =	vmul.f32 $3.149999980e-01, v7;
	v51 =	vld.idx.msk [tilespmem:v28+s20+$0x0], $0xffff  }
0x6b: {  	v12 =	vmax.f32 v12, $0.0e+00;
	v19 =	vmul.f32 $6.250000090e-03, v19;
	v31 =	vmul.f32 v40, v31;
	v28 =	vld.idx.msk [tilespmem:v28+s5+$0x0], $0xffff  }
0x6c: {  	v12 =	vmul.f32 $6.250000090e-03, v12;
	v47 =	vmin.f32 v10, $6.300000000e+01;
	v10 =	vld [tilespmem:s9+$0x8260];
	v38 =	vmul.f32 v41, v13  }
0x6d: {  	v14 =	vmax.f32 v14, $0.0e+00;
	v13 =	vld [tilespmem:s9+$0x230];
	v35 =	vmul.f32 v42, v35;
	v42 =	vcvt.f32.s32 v55  }
0x6e: {  	v32 =	vmul.f32 v24, v32;
	v46 =	vmul.f32 $3.149999980e-01, v14;
	v24 =	vmin.f32 v19, $6.300000000e+01;
	v19 =	vld [tilespmem:s9+$0x8230]  }
0x6f: {  	v57 =	vld [tilespmem:s9+$0x8250];
	v17 =	vmax.f32 v17, $0.0e+00;
	v41 =	vtrunc.f32 v47;
	v52 =	vtrunc.f32 v24  }
0x70: {  	v17 =	vmul.f32 $6.250000090e-03, v17;
	v44 =	vld.idx.msk [tilespmem:v22+s22+$0x0], $0xffff;
	v39 =	vcvt.f32.s32 v52  }
0x71: {  	v52 =	vld.idx.msk [tilespmem:v27+s22+$0x0], $0xffff;
	v33 =	vadd.f32 v33, v53;
	v11 =	vmax.f32 v15, $0.0e+00;
	v6 =	vmul.f32 v51, v6  }
0x72: {  	v15 =	vld [tilespmem:s9+$0x250];
	v11 =	vmul.f32 $3.149999980e-01, v11;
	v10 =	vmax.f32 v10, $0.0e+00;
	v13 =	vmax.f32 v13, $0.0e+00  }
0x73: {  	v14 =	vmax.f32 v19, $0.0e+00;
	v63 =	vmul.f32 $3.149999980e-01, v10;
	v28 =	vadd.f32 v6, v28;
	v59 =	vld.idx.msk [tilespmem:v42+s22+$0x0], $0xffff  }
0x74: {  	v13 =	vmul.f32 $6.250000090e-03, v13;
	v48 =	vmin.f32 v11, $6.300000000e+01;
	v19 =	vmul.f32 $3.149999980e-01, v14;
	v60 =	vld.idx.msk [tilespmem:v42+s21+$0x0], $0xffff  }
0x75: {  	v14 =	vmax.f32 v54, $0.0e+00;
	v11 =	vmin.f32 v12, $6.300000000e+01;
	v12 =	vmin.f32 v7, $6.300000000e+01;
	v42 =	vld.idx.msk [tilespmem:v1+s21+$0x0], $0xffff  }
0x76: {  	v5 =	vmul.f32 v44, v5;
	v50 =	vmul.f32 $6.250000090e-03, v14;
	v1 =	vmin.f32 v45, $6.300000000e+01;
	v45 =	vld.idx.msk [tilespmem:v2+s5+$0x0], $0xffff  }
0x77: {  	v14 =	vmax.f32 v56, $0.0e+00;
	v2 =	vmin.f32 v63, $6.300000000e+01;
	v56 =	vld.idx.msk [tilespmem:v21+s21+$0x0], $0xffff;
	v21 =	vcvt.f32.s32 v41  }
0x78: {  	v27 =	vld.idx.msk [tilespmem:v27+s21+$0x0], $0xffff;
	v26 =	vmul.f32 v52, v26;
	v7 =	vmul.f32 $3.149999980e-01, v14;
	v15 =	vmax.f32 v15, $0.0e+00  }
0x79: {  	v49 =	vld.idx.msk [tilespmem:v39+s20+$0x0], $0xffff;
	v14 =	vmin.f32 v17, $6.300000000e+01;
	v17 =	vmax.f32 v57, $0.0e+00;
	v63 =	vtrunc.f32 v2  }
0x7a: {  	v19 =	vmin.f32 v19, $6.300000000e+01;
	v61 =	vmul.f32 $6.250000090e-03, v15;
	v62 =	vmul.f32 $3.149999980e-01, v17  }
0x7b: {  	v39 =	vld.idx.msk [tilespmem:v39+s5+$0x0], $0xffff;
	v15 =	vmin.f32 v46, $6.300000000e+01;
	v46 =	vtrunc.f32 v48;
	v40 =	vtrunc.f32 v14  }
0x7c: {  	v17 =	vmin.f32 v13, $6.300000000e+01;
	v57 =	vtrunc.f32 v19;
	v6 =	vcvt.f32.s32 v63  }
0x7d: {  	v13 =	vmin.f32 v50, $6.300000000e+01;
	v50 =	vtrunc.f32 v15;
	v55 =	vtrunc.f32 v17  }
0x7e: {  	v18 =	vld.idx.msk [tilespmem:v18+s21+$0x0], $0xffff;
	v63 =	vadd.f32 v26, v27;
	v37 =	vmul.f32 v59, v37;
	v24 =	vmul.f32 v49, v24  }
0x7f: {  	v54 =	vld.idx.msk [tilespmem:v20+s5+$0x0], $0xffff;
	v10 =	vmin.f32 v7, $6.300000000e+01;
	v58 =	vtrunc.f32 v13;
	v20 =	vcvt.f32.s32 v40  }
0x80: {  	v41 =	vld.idx.msk [tilespmem:v16+s5+$0x0], $0xffff;
	v16 =	vcvt.f32.s32 v57;
	v37 =	vadd.f32 v37, v60;
	v24 =	vadd.f32 v24, v39  }
0x81: {  	v8 =	vld.idx.msk [tilespmem:v8+s5+$0x0], $0xffff;
	v7 =	vmin.f32 v61, $6.300000000e+01;
	v0 =	vmin.f32 v62, $6.300000000e+01;
	v61 =	vtrunc.f32 v1  }
0x82: {  	v40 =	vld.idx.msk [tilespmem:v22+s21+$0x0], $0xffff;
	v49 =	vtrunc.f32 v11;
	v37 =	vadd.f32 v37, v24;
	v24 =	vcvt.f32.s32 v46  }
0x83: {  	v45 =	vadd.f32 v23, v45;
	v57 =	vld.idx.msk [tilespmem:v21+s20+$0x0], $0xffff;
	v23 =	vcvt.f32.s32 v49;
	v39 =	vtrunc.f32 v12  }
0x84: {  	v62 =	vadd.f32 v25, v18;
	v22 =	vcvt.f32.s32 v50;
	v60 =	vld.idx.msk [tilespmem:v9+s21+$0x0], $0xffff;
	v25 =	vcvt.f32.s32 v39  }
0x85: {  	v18 =	vcvt.f32.s32 v55;
	v28 =	vadd.f32 v63, v28;
	v59 =	vtrunc.f32 v10;
	v49 =	vld.idx.msk [tilespmem:v3+s5+$0x0], $0xffff  }
0x86: {  	v53 =	vtrunc.f32 v7;
	v34 =	vadd.f32 v34, v42;
	v36 =	vadd.f32 v36, v56;
	v46 =	vld.idx.msk [tilespmem:v4+s21+$0x0], $0xffff  }
0x87: {  	v42 =	vtrunc.f32 v0;
	v56 =	vadd.f32 v30, v8;
	v41 =	vadd.f32 v32, v41;
	v32 =	vld.idx.msk [tilespmem:v20+s20+$0x0], $0xffff  }
0x88: {  	v8 =	vcvt.f32.s32 v59;
	v9 =	vcvt.f32.s32 v58;
	v40 =	vadd.f32 v5, v40;
	v58 =	vld.idx.msk [tilespmem:v24+s22+$0x0], $0xffff  }
0x89: {  	[tilespmem:s7+$0x10270] =	vst v43;
	v3 =	vcvt.f32.s32 v53;
	v39 =	vadd.f32 v29, v54;
	v31 =	vadd.f32 v31, v60;
	v29 =	vld.idx.msk [tilespmem:v23+s20+$0x0], $0xffff  }
0x8a: {  	v26 =	vmul.f32 v57, v47;
	v59 =	vadd.f32 v35, v49;
	v60 =	vadd.f32 v34, v33;
	v30 =	vld.idx.msk [tilespmem:v25+s22+$0x0], $0xffff  }
0x8b: {  	v5 =	vcvt.f32.s32 v61;
	[tilespmem:s9+$0x10270] =	vst v37;
	v34 =	vadd.f32 v62, v45;
	v33 =	vld.idx.msk [tilespmem:v22+s22+$0x0], $0xffff;
	v38 =	vadd.f32 v38, v46  }
0x8c: {  	v4 =	vcvt.f32.s32 v42;
	v35 =	vadd.f32 v36, v39;
	v37 =	vld.idx.msk [tilespmem:v18+s20+$0x0], $0xffff;
	[tilespmem:s7+$0x10200] =	vst v60;
	v36 =	vadd.f32 v31, v56  }
0x8d: {  	s6 =	sshll.u32 s24, $0xF;
	v31 =	vadd.f32 v40, v59;
	v39 =	vadd.f32 v38, v41;
	v38 =	vld.idx.msk [tilespmem:v16+s22+$0x0], $0xffff;
	v27 =	vmul.f32 v58, v48  }
.LBB2_3:
0x8e: {  	s10 =	sadd.s32 $0x8, s10;
	v29 =	vmul.f32 v29, v11;
	v11 =	vld.idx.msk [tilespmem:v9+s20+$0x0], $0xffff;
	s11 =	sadd.s32 $0x400, s11;
	[tilespmem:s7+$0x10210] =	vst v34  }
0x8f: {  	v34 =	vmul.f32 v30, v12;
	s12 =	sand.u32 $0x380, s10;
	s13 =	sand.u32 $0x3C00, s11;
	p1 =	slt.u32 s10, $0x3F8;
	v12 =	vld.idx.msk [tilespmem:v8+s22+$0x0], $0xffff;
	[tilespmem:s7+$0x10220] =	vst v35  }
0x90: {  	v35 =	vmul.f32 v32, v14;
	s12 =	sor.u32 s12, s13;
	v14 =	vld.idx.msk [tilespmem:v3+s20+$0x0], $0xffff;
	[tilespmem:s7+$0x10230] =	vst v36  }
0x91: {  	v36 =	vmul.f32 v33, v15;
	v40 =	vld [tilespmem:s12+$0x270];
	[tilespmem:s7+$0x10240] =	vst v39  }
0x92: {  	v33 =	vmul.f32 v37, v17;
	v15 =	vld [tilespmem:s12+$0x8270];
	[tilespmem:s7+$0x10250] =	vst v31  }
0x93: {  	v31 =	vmul.f32 v38, v19;
	v17 =	vld [tilespmem:s12+$0x200];
	[tilespmem:s7+$0x10260] =	vst v28;
	s7 =	smov.u32 s9;
	s9 =	smov.u32 s12  }
0x94: {  	v32 =	vmul.f32 v11, v13;
	v19 =	vld [tilespmem:s9+$0x8200]  }
0x95: {  	v30 =	vmul.f32 v12, v10;
	v11 =	vld [tilespmem:s9+$0x210]  }
0x96: {  	v28 =	vmul.f32 v14, v7;
	v10 =	vld [tilespmem:s9+$0x8210];
	v12 =	vmax.f32 v40, $0.0e+00  }
0x97: {  	v7 =	vld [tilespmem:s9+$0x220];
	v12 =	vmul.f32 $6.250000090e-03, v12;
	v13 =	vmax.f32 v15, $0.0e+00  }
0x98: {  	v14 =	vmax.f32 v17, $0.0e+00;
	v15 =	vld [tilespmem:s9+$0x8220];
	v13 =	vmul.f32 $3.149999980e-01, v13  }
0x99: {  	v14 =	vmul.f32 $6.250000090e-03, v14;
	v17 =	vmax.f32 v19, $0.0e+00;
	v19 =	vld [tilespmem:s9+$0x230];
	v39 =	vmin.f32 v12, $6.300000000e+01  }
0x9a: {  	v11 =	vmax.f32 v11, $0.0e+00;
	v12 =	vld [tilespmem:s9+$0x8230];
	v40 =	vmin.f32 v13, $6.300000000e+01;
	v13 =	vtrunc.f32 v39  }
0x9b: {  	v10 =	vmax.f32 v10, $0.0e+00;
	v41 =	vld [tilespmem:s9+$0x240];
	v13 =	vcvt.f32.s32 v13;
	v37 =	vtrunc.f32 v40  }
0x9c: {  	v17 =	vmul.f32 $3.149999980e-01, v17;
	v7 =	vmax.f32 v7, $0.0e+00;
	v42 =	vld [tilespmem:s9+$0x8240];
	v43 =	vcvt.f32.s32 v37  }
0x9d: {  	v11 =	vmul.f32 $6.250000090e-03, v11;
	v10 =	vmul.f32 $3.149999980e-01, v10;
	v15 =	vmax.f32 v15, $0.0e+00;
	v44 =	vld [tilespmem:s9+$0x250]  }
0x9e: {  	v7 =	vmul.f32 $6.250000090e-03, v7;
	v15 =	vmul.f32 $3.149999980e-01, v15;
	v19 =	vmax.f32 v19, $0.0e+00;
	v45 =	vld [tilespmem:s9+$0x8250]  }
0x9f: {  	v37 =	vmin.f32 v14, $6.300000000e+01;
	v19 =	vmul.f32 $6.250000090e-03, v19;
	v12 =	vmax.f32 v12, $0.0e+00;
	v46 =	vld [tilespmem:s9+$0x260]  }
0xa0: {  	v38 =	vmin.f32 v17, $6.300000000e+01;
	v47 =	vmul.f32 $3.149999980e-01, v12;
	v12 =	vmax.f32 v41, $0.0e+00;
	v41 =	vld [tilespmem:s9+$0x8260]  }
0xa1: {  	v11 =	vmin.f32 v11, $6.300000000e+01;
	v48 =	vmul.f32 $6.250000090e-03, v12;
	v14 =	vmax.f32 v42, $0.0e+00;
	v42 =	vld.idx.msk [tilespmem:v13+s20+$0x0], $0xffff  }
0xa2: {  	v12 =	vmin.f32 v10, $6.300000000e+01;
	v10 =	vmul.f32 $3.149999980e-01, v14;
	v17 =	vmax.f32 v44, $0.0e+00;
	v44 =	vld.idx.msk [tilespmem:v43+s22+$0x0], $0xffff  }
0xa3: {  	v14 =	vmin.f32 v7, $6.300000000e+01;
	v7 =	vmul.f32 $6.250000090e-03, v17;
	v17 =	vmax.f32 v45, $0.0e+00;
	v45 =	vld.idx.msk [tilespmem:v13+s5+$0x0], $0xffff  }
0xa4: {  	v15 =	vmin.f32 v15, $6.300000000e+01;
	v49 =	vmul.f32 $3.149999980e-01, v17;
	v13 =	vmax.f32 v46, $0.0e+00;
	v43 =	vld.idx.msk [tilespmem:v43+s21+$0x0], $0xffff  }
0xa5: {  	v17 =	vmin.f32 v19, $6.300000000e+01;
	v46 =	vmul.f32 $6.250000090e-03, v13;
	v41 =	vmax.f32 v41, $0.0e+00;
	v50 =	vld.idx.msk [tilespmem:v4+s22+$0x0], $0xffff  }
0xa6: {  	v19 =	vmin.f32 v47, $6.300000000e+01;
	v13 =	vmin.f32 v48, $6.300000000e+01;
	v41 =	vmul.f32 $3.149999980e-01, v41;
	v47 =	vld.idx.msk [tilespmem:v5+s20+$0x0], $0xffff  }
0xa7: {  	v10 =	vmin.f32 v10, $6.300000000e+01;
	v7 =	vmin.f32 v7, $6.300000000e+01;
	v48 =	vmin.f32 v49, $6.300000000e+01;
	v49 =	vld.idx.msk [tilespmem:v6+s22+$0x0], $0xffff  }
0xa8: {  	v39 =	vmul.f32 v42, v39;
	v46 =	vmin.f32 v46, $6.300000000e+01;
	v40 =	vmul.f32 v44, v40;
	v21 =	vld.idx.msk [tilespmem:v21+s5+$0x0], $0xffff  }
0xa9: {  	v42 =	vtrunc.f32 v37;
	v44 =	vtrunc.f32 v38;
	v41 =	vmin.f32 v41, $6.300000000e+01;
	v24 =	vld.idx.msk [tilespmem:v24+s21+$0x0], $0xffff  }
0xaa: {  	v51 =	vtrunc.f32 v11;
	v39 =	vadd.f32 v39, v45;
	v40 =	vadd.f32 v40, v43;
	v23 =	vld.idx.msk [tilespmem:v23+s5+$0x0], $0xffff  }
0xab: {  	v45 =	vtrunc.f32 v14;
	v43 =	vtrunc.f32 v12;
	v25 =	vld.idx.msk [tilespmem:v25+s21+$0x0], $0xffff  }
0xac: {  	v52 =	vtrunc.f32 v15;
	v53 =	vtrunc.f32 v17;
	v39 =	vadd.f32 v40, v39;
	v40 =	vld.idx.msk [tilespmem:v20+s5+$0x0], $0xffff  }
0xad: {  	v54 =	vtrunc.f32 v19;
	v55 =	vtrunc.f32 v13;
	v56 =	vld.idx.msk [tilespmem:v22+s21+$0x0], $0xffff  }
0xae: {  	v57 =	vtrunc.f32 v10;
	v58 =	vtrunc.f32 v7;
	v26 =	vadd.f32 v26, v21;
	[tilespmem:s9+$0x10270] =	vst v39;
	v39 =	vld.idx.msk [tilespmem:v18+s5+$0x0], $0xffff  }
0xaf: {  	v59 =	vtrunc.f32 v48;
	v60 =	vtrunc.f32 v46;
	v27 =	vadd.f32 v27, v24;
	v61 =	vld.idx.msk [tilespmem:v16+s21+$0x0], $0xffff  }
0xb0: {  	v21 =	vcvt.f32.s32 v42;
	v42 =	vtrunc.f32 v41;
	v62 =	vadd.f32 v29, v23;
	v29 =	vld.idx.msk [tilespmem:v9+s5+$0x0], $0xffff  }
0xb1: {  	v24 =	vcvt.f32.s32 v44;
	v23 =	vcvt.f32.s32 v51;
	v34 =	vadd.f32 v34, v25;
	v44 =	vld.idx.msk [tilespmem:v8+s21+$0x0], $0xffff  }
0xb2: {  	v20 =	vcvt.f32.s32 v45;
	v25 =	vcvt.f32.s32 v43;
	v35 =	vadd.f32 v35, v40;
	v40 =	vld.idx.msk [tilespmem:v3+s5+$0x0], $0xffff  }
0xb3: {  	v22 =	vcvt.f32.s32 v52;
	v18 =	vcvt.f32.s32 v53;
	v36 =	vadd.f32 v36, v56;
	v43 =	vld.idx.msk [tilespmem:v4+s21+$0x0], $0xffff  }
0xb4: {  	v16 =	vcvt.f32.s32 v54;
	v9 =	vcvt.f32.s32 v55;
	v39 =	vadd.f32 v33, v39;
	v33 =	vld.idx.msk [tilespmem:v5+s5+$0x0], $0xffff  }
0xb5: {  	v8 =	vcvt.f32.s32 v57;
	v3 =	vcvt.f32.s32 v58;
	v31 =	vadd.f32 v31, v61;
	v45 =	vld.idx.msk [tilespmem:v6+s21+$0x0], $0xffff  }
0xb6: {  	v4 =	vcvt.f32.s32 v59;
	v5 =	vcvt.f32.s32 v60;
	v52 =	vadd.f32 v32, v29;
	v51 =	vld.idx.msk [tilespmem:v21+s20+$0x0], $0xffff  }
0xb7: {  	v6 =	vcvt.f32.s32 v42;
	v32 =	vmul.f32 v50, v0;
	v0 =	vmovc v48;
	v42 =	vadd.f32 v30, v44;
	v53 =	vld.idx.msk [tilespmem:v24+s22+$0x0], $0xffff  }
0xb8: {  	v44 =	vmul.f32 v49, v2;
	v28 =	vadd.f32 v28, v40;
	v40 =	vmul.f32 v47, v1;
	v29 =	vld.idx.msk [tilespmem:v23+s20+$0x0], $0xffff  }
.Ltmp2:
0xb9: {  	v26 =	vadd.f32 v27, v26;
	v2 =	vmovc v41;
	v1 =	vmov v46;
	v43 =	vadd.f32 v32, v43;
	v30 =	vld.idx.msk [tilespmem:v25+s22+$0x0], $0xffff;
	(pc) =	sbr.rel @p1 .LBB2_3-.Ltmp2, $4  }
0xba: {  	v34 =	vadd.f32 v34, v62;
	v40 =	vadd.f32 v40, v33;
	v32 =	vld.idx.msk [tilespmem:v20+s20+$0x0], $0xffff  }
0xbb: {  	v35 =	vadd.f32 v36, v35;
	v41 =	vadd.f32 v44, v45;
	v33 =	vld.idx.msk [tilespmem:v22+s22+$0x0], $0xffff;
	[tilespmem:s7+$0x10200] =	vst v26  }
0xbc: {  	v36 =	vadd.f32 v31, v39;
	v39 =	vadd.f32 v42, v52;
	v26 =	vmul.f32 v51, v37;
	v37 =	vld.idx.msk [tilespmem:v18+s20+$0x0], $0xffff  }
0xbd: {  	v31 =	vadd.f32 v43, v28;
	v27 =	vmul.f32 v53, v38;
	v28 =	vadd.f32 v41, v40;
	v38 =	vld.idx.msk [tilespmem:v16+s22+$0x0], $0xffff  }
0xbe: {  	_ =	sdelay $0x3  }
0xbf: {  	v40 =	vld.idx.msk [tilespmem:v9+s20+$0x0], $0xffff  }
0xc0: {  	v41 =	vld.idx.msk [tilespmem:v8+s22+$0x0], $0xffff  }
0xc1: {  	v42 =	vld.idx.msk [tilespmem:v3+s20+$0x0], $0xffff  }
0xc2: {  	v43 =	vld.idx.msk [tilespmem:v4+s22+$0x0], $0xffff  }
0xc3: {  	v44 =	vld.idx.msk [tilespmem:v5+s20+$0x0], $0xffff  }
0xc4: {  	v45 =	vld.idx.msk [tilespmem:v6+s22+$0x0], $0xffff  }
0xc5: {  	v21 =	vld.idx.msk [tilespmem:v21+s5+$0x0], $0xffff  }
0xc6: {  	v24 =	vld.idx.msk [tilespmem:v24+s21+$0x0], $0xffff  }
0xc7: {  	v23 =	vld.idx.msk [tilespmem:v23+s5+$0x0], $0xffff  }
0xc8: {  	v25 =	vld.idx.msk [tilespmem:v25+s21+$0x0], $0xffff  }
0xc9: {  	v20 =	vld.idx.msk [tilespmem:v20+s5+$0x0], $0xffff  }
0xca: {  	v22 =	vld.idx.msk [tilespmem:v22+s21+$0x0], $0xffff;
	[tilespmem:s7+$0x10210] =	vst v34  }
0xcb: {  	v18 =	vld.idx.msk [tilespmem:v18+s5+$0x0], $0xffff;
	[tilespmem:s7+$0x10220] =	vst v35  }
0xcc: {  	v11 =	vmul.f32 v29, v11;
	v16 =	vld.idx.msk [tilespmem:v16+s21+$0x0], $0xffff;
	[tilespmem:s7+$0x10230] =	vst v36  }
0xcd: {  	v12 =	vmul.f32 v30, v12;
	v9 =	vld.idx.msk [tilespmem:v9+s5+$0x0], $0xffff;
	[tilespmem:s7+$0x10240] =	vst v39;
	v14 =	vmul.f32 v32, v14  }
0xce: {  	v8 =	vld.idx.msk [tilespmem:v8+s21+$0x0], $0xffff;
	v15 =	vmul.f32 v33, v15;
	v17 =	vmul.f32 v37, v17;
	v21 =	vadd.f32 v26, v21  }
0xcf: {  	v3 =	vld.idx.msk [tilespmem:v3+s5+$0x0], $0xffff;
	v19 =	vmul.f32 v38, v19;
	v24 =	vadd.f32 v27, v24;
	v11 =	vadd.f32 v11, v23  }
0xd0: {  	v4 =	vld.idx.msk [tilespmem:v4+s21+$0x0], $0xffff;
	v13 =	vmul.f32 v40, v13;
	v12 =	vadd.f32 v12, v25;
	v14 =	vadd.f32 v14, v20  }
0xd1: {  	v5 =	vld.idx.msk [tilespmem:v5+s5+$0x0], $0xffff;
	v10 =	vmul.f32 v41, v10;
	v15 =	vadd.f32 v15, v22;
	v17 =	vadd.f32 v17, v18  }
0xd2: {  	v6 =	vld.idx.msk [tilespmem:v6+s21+$0x0], $0xffff;
	v7 =	vmul.f32 v42, v7;
	v16 =	vadd.f32 v19, v16;
	v9 =	vadd.f32 v13, v9  }
0xd3: {  	[tilespmem:s7+$0x10250] =	vst v31;
	v0 =	vmul.f32 v43, v0;
	v8 =	vadd.f32 v10, v8;
	v10 =	vadd.f32 v24, v21  }
0xd4: {  	[tilespmem:s7+$0x10260] =	vst v28;
	v1 =	vmul.f32 v44, v1;
	v3 =	vadd.f32 v7, v3;
	v7 =	vadd.f32 v12, v11  }
0xd5: {  	v2 =	vmul.f32 v45, v2;
	v0 =	vadd.f32 v0, v4;
	v4 =	vadd.f32 v15, v14;
	[tilespmem:s9+$0x10200] =	vst v10  }
0xd6: {  	v1 =	vadd.f32 v1, v5;
	v5 =	vadd.f32 v16, v17;
	[tilespmem:s9+$0x10210] =	vst v7  }
0xd7: {  	v2 =	vadd.f32 v2, v6;
	v6 =	vadd.f32 v8, v9;
	[tilespmem:s9+$0x10220] =	vst v4  }
0xd8: {  	v0 =	vadd.f32 v0, v3;
	[tilespmem:s9+$0x10230] =	vst v5  }
0xd9: {  	s10 =	sor.u32 s6, s8;
	v1 =	vadd.f32 v2, v1;
	[tilespmem:s9+$0x10240] =	vst v6  }
0xda: {  	s7 =	sshrl.u32 s10, $0x3;
	[tilespmem:s9+$0x10250] =	vst v0  }
0xdb: {  	p1 =	seq.s32 s24, $0xF;
	s7 =	sadd.s32 s4, s7;
	[tilespmem:s9+$0x10260] =	vst v1  }
0xdc: {  	[hbm4b:s7+s5] =	stream.linear.scatter [tilespmem:s29], [sflag:$0x3], $0x4000, $0x38;
	[tilespmem:$0x18200] =	vst v63  }
0xdd: {  	s7 =	sadd.s32 @!p1 s6, s16  }
0xde: {  	s7 =	sshrl.u32 @!p1 s7, $0x3  }
0xdf: {  	s10 =	simm.s32 @!p1 $0x0;
	s11 =	simm.s32 @!p1 $0x200;
	s9 =	sadd.s32 @!p1 s1, s7  }
0xe0: {  	[tilespmem:s11], [sflag:$0x1] =	stream.linear.gather @!p1 [hbm4b:s9+s10], $0x4000, $0x38;
	[tilespmem:$0x18200] =	vst v63  }
0xe1: {  	s7 =	sadd.s32 @!p1 s2, s7;
	s9 =	simm.s32 @!p1 $0x8200  }
0xe2: {  	[tilespmem:s9], [sflag:$0x1] =	stream.linear.gather @!p1 [hbm4b:s7+s10], $0x4000, $0x38;
	[tilespmem:$0x18200] =	vst v63  }
0xe3: {  	_ =	swait.ge [sflag:s30], $0x4000  }
0xe4: {  	[sflag:s30] =	ssyncset.done $0x0  }
0xe5: {  	[sflag:s30] =	ssyncadd.s32 $0xFFFFC000  }
0xe6: {  	_ =	swait.ge [sflag:s30], $0x4000  }
0xe7: {  	[sflag:s30] =	ssyncset.done $0x0  }
0xe8: {  	s7 =	simm.s32 @!p0 $0x4;
	[sflag:s30] =	ssyncadd.s32 $0xFFFFC000  }
0xe9: {  	s12 =	simm.s32 $0x0;
	s11 =	simm.s32 $0x0;
	_ =	swait.ge @!p0 [sflag:s7], $0x4000  }
0xea: {  	s10 =	sand.u32 $0x380, s12;
	s9 =	sand.u32 $0x3C00, s11;
	[sflag:s7] =	ssyncset.done @!p0 $0x0  }
0xeb: {  	[sflag:s7] =	ssyncadd.s32 @!p0 $0xFFFFC000;
	s7 =	sor.u32 s10, s9  }
0xec: {  	v0 =	vld [tilespmem:s7+$0x4270]  }
0xed: {  	v1 =	vld [tilespmem:s7+$0xC270]  }
0xee: {  	v2 =	vld [tilespmem:s7+$0x4200]  }
0xef: {  	v4 =	vld [tilespmem:s7+$0x4210]  }
0xf0: {  	v5 =	vld [tilespmem:s7+$0xC210]  }
0xf1: {  	v6 =	vld [tilespmem:s7+$0x4220]  }
0xf2: {  	v7 =	vld [tilespmem:s7+$0xC220]  }
0xf3: {  	v8 =	vld [tilespmem:s7+$0x4230]  }
0xf4: {  	v0 =	vmax.f32 v0, $0.0e+00;
	v1 =	vmax.f32 v1, $0.0e+00  }
0xf5: {  	v2 =	vmax.f32 v2, $0.0e+00;
	v4 =	vmax.f32 v4, $0.0e+00;
	v5 =	vmax.f32 v5, $0.0e+00  }
0xf6: {  	v13 =	vld [tilespmem:s7+$0xC240];
	v6 =	vmax.f32 v6, $0.0e+00;
	v0 =	vmul.f32 $6.250000090e-03, v0;
	v1 =	vmul.f32 $3.149999980e-01, v1  }
0xf7: {  	v7 =	vmax.f32 v7, $0.0e+00;
	v2 =	vmul.f32 $6.250000090e-03, v2;
	v4 =	vmul.f32 $6.250000090e-03, v4  }
0xf8: {  	v3 =	vld [tilespmem:s7+$0xC200];
	v8 =	vmax.f32 v8, $0.0e+00;
	v5 =	vmul.f32 $3.149999980e-01, v5;
	v6 =	vmul.f32 $6.250000090e-03, v6  }
0xf9: {  	v9 =	vld [tilespmem:s7+$0x4240];
	v7 =	vmul.f32 $3.149999980e-01, v7;
	v8 =	vmul.f32 $6.250000090e-03, v8  }
0xfa: {  	v17 =	vld [tilespmem:s7+$0xC250];
	v10 =	vmin.f32 v0, $6.300000000e+01;
	v11 =	vmin.f32 v1, $6.300000000e+01;
	v15 =	vmin.f32 v2, $6.300000000e+01  }
0xfb: {  	s11 =	simm.s32 $0x400;
	s10 =	simm.s32 $0x8;
	v22 =	vld [tilespmem:s7+$0x4260];
	v2 =	vmax.f32 v13, $0.0e+00;
	v23 =	vmin.f32 v4, $6.300000000e+01;
	v1 =	vtrunc.f32 v10  }
0xfc: {  	s12 =	sand.u32 $0x3C00, s11;
	v24 =	vld [tilespmem:s7+$0xC260];
	s13 =	sand.u32 $0x380, s10;
	v25 =	vmin.f32 v5, $6.300000000e+01;
	v13 =	vmul.f32 $3.149999980e-01, v2;
	v12 =	vcvt.f32.s32 v1  }
0xfd: {  	s9 =	sor.u32 s13, s12;
	v0 =	vld [tilespmem:s7+$0xC230];
	v29 =	vmin.f32 v6, $6.300000000e+01;
	v2 =	vtrunc.f32 v23;
	v4 =	vtrunc.f32 v25  }
0xfe: {  	v63 =	vld [tilespmem:s9+$0x4270];
	v5 =	vtrunc.f32 v29;
	v2 =	vcvt.f32.s32 v2  }
0xff: {  	v49 =	vld [tilespmem:s9+$0xC270];
	v1 =	vtrunc.f32 v11;
	v18 =	vcvt.f32.s32 v4  }
0x100: {  	v3 =	vmax.f32 v3, $0.0e+00;
	v20 =	vcvt.f32.s32 v5;
	v14 =	vcvt.f32.s32 v1;
	v1 =	vld [tilespmem:s7+$0x4250]  }
0x101: {  	v50 =	vld [tilespmem:s9+$0x4200];
	v3 =	vmul.f32 $3.149999980e-01, v3;
	v7 =	vmin.f32 v7, $6.300000000e+01;
	v30 =	vmin.f32 v8, $6.300000000e+01  }
0x102: {  	v4 =	vtrunc.f32 v7;
	v5 =	vtrunc.f32 v30;
	v0 =	vmax.f32 v0, $0.0e+00;
	v26 =	vld.idx.msk [tilespmem:v12+s20+$0x0], $0xffff  }
0x103: {  	v21 =	vcvt.f32.s32 v4;
	v16 =	vmul.f32 $3.149999980e-01, v0;
	v0 =	vmax.f32 v9, $0.0e+00;
	v12 =	vld.idx.msk [tilespmem:v12+s5+$0x0], $0xffff  }
0x104: {  	v19 =	vmin.f32 v3, $6.300000000e+01;
	v8 =	vcvt.f32.s32 v5;
	v9 =	vmul.f32 $6.250000090e-03, v0;
	v56 =	vld.idx.msk [tilespmem:v2+s20+$0x0], $0xffff  }
0x105: {  	v0 =	vmax.f32 v1, $0.0e+00;
	v1 =	vtrunc.f32 v19;
	v31 =	vmin.f32 v16, $6.300000000e+01;
	v57 =	vld.idx.msk [tilespmem:v18+s22+$0x0], $0xffff  }
0x106: {  	v58 =	vld.idx.msk [tilespmem:v20+s20+$0x0], $0xffff;
	v3 =	vmul.f32 $6.250000090e-03, v0;
	v1 =	vcvt.f32.s32 v1;
	v52 =	vmin.f32 v9, $6.300000000e+01  }
0x107: {  	v13 =	vmin.f32 v13, $6.300000000e+01;
	v27 =	vld.idx.msk [tilespmem:v14+s22+$0x0], $0xffff;
	v4 =	vtrunc.f32 v31;
	v5 =	vtrunc.f32 v52  }
0x108: {  	v14 =	vld.idx.msk [tilespmem:v14+s21+$0x0], $0xffff;
	v9 =	vcvt.f32.s32 v4;
	v55 =	vmin.f32 v3, $6.300000000e+01;
	v3 =	vtrunc.f32 v13  }
0x109: {  	v59 =	vld.idx.msk [tilespmem:v21+s22+$0x0], $0xffff;
	v16 =	vcvt.f32.s32 v5;
	v5 =	vtrunc.f32 v55  }
0x10a: {  	v4 =	vcvt.f32.s32 v3;
	v3 =	vcvt.f32.s32 v5;
	v5 =	vmax.f32 v17, $0.0e+00;
	v17 =	vld.idx.msk [tilespmem:v8+s20+$0x0], $0xffff  }
0x10b: {  	v0 =	vtrunc.f32 v15;
	v23 =	vmul.f32 v56, v23;
	v56 =	vld [tilespmem:s9+$0xC240]  }
0x10c: {  	v0 =	vcvt.f32.s32 v0;
	v25 =	vmul.f32 v57, v25;
	v57 =	vld [tilespmem:s9+$0xC250]  }
0x10d: {  	v6 =	vmax.f32 v22, $0.0e+00;
	v29 =	vmul.f32 v58, v29;
	v58 =	vld [tilespmem:s9+$0x4260]  }
0x10e: {  	v6 =	vmul.f32 $6.250000090e-03, v6;
	v8 =	vld.idx.msk [tilespmem:v8+s5+$0x0], $0xffff  }
0x10f: {  	v22 =	vmax.f32 v24, $0.0e+00;
	v10 =	vmul.f32 v26, v10;
	v36 =	vmul.f32 v59, v7;
	v7 =	vld [tilespmem:s9+$0xC210]  }
0x110: {  	v51 =	vmax.f32 v49, $0.0e+00;
	v22 =	vmul.f32 $3.149999980e-01, v22;
	v54 =	vld.idx.msk [tilespmem:v1+s22+$0x0], $0xffff  }
0x111: {  	v37 =	vmul.f32 $3.149999980e-01, v51;
	v6 =	vmin.f32 v6, $6.300000000e+01;
	v10 =	vadd.f32 v10, v12;
	v12 =	vld [tilespmem:s9+$0x4210]  }
0x112: {  	v26 =	vmin.f32 v22, $6.300000000e+01;
	v5 =	vmul.f32 $3.149999980e-01, v5;
	v11 =	vmul.f32 v27, v11;
	v53 =	vld.idx.msk [tilespmem:v0+s20+$0x0], $0xffff  }
0x113: {  	v27 =	vtrunc.f32 v6;
	v48 =	vtrunc.f32 v26;
	v60 =	vld.idx.msk [tilespmem:v9+s22+$0x0], $0xffff  }
0x114: {  	v28 =	vcvt.f32.s32 v27;
	v5 =	vmin.f32 v5, $6.300000000e+01;
	v11 =	vadd.f32 v11, v14;
	v14 =	vld [tilespmem:s9+$0xC220]  }
0x115: {  	v37 =	vmin.f32 v37, $6.300000000e+01;
	v27 =	vcvt.f32.s32 v48;
	v24 =	vld.idx.msk [tilespmem:v16+s20+$0x0], $0xffff;
	v22 =	vtrunc.f32 v5  }
0x116: {  	v61 =	vld.idx.msk [tilespmem:v4+s22+$0x0], $0xffff;
	v22 =	vcvt.f32.s32 v22;
	v30 =	vmul.f32 v17, v30;
	v45 =	vmax.f32 v58, $0.0e+00  }
0x117: {  	v17 =	vld [tilespmem:s9+$0x4220];
	v43 =	vadd.f32 v11, v10;
	v7 =	vmax.f32 v7, $0.0e+00;
	v45 =	vmul.f32 $6.250000090e-03, v45  }
0x118: {  	v62 =	vld.idx.msk [tilespmem:v3+s20+$0x0], $0xffff;
	v34 =	vmul.f32 v54, v19;
	v19 =	vmax.f32 v63, $0.0e+00;
	v7 =	vmul.f32 $3.149999980e-01, v7  }
0x119: {  	v12 =	vmax.f32 v12, $0.0e+00;
	v33 =	vmul.f32 v53, v15;
	v15 =	vld [tilespmem:s9+$0xC200];
	v19 =	vmul.f32 $6.250000090e-03, v19  }
0x11a: {  	v31 =	vmul.f32 v60, v31;
	v53 =	vmax.f32 v50, $0.0e+00;
	v12 =	vmul.f32 $6.250000090e-03, v12;
	v51 =	vld.idx.msk [tilespmem:v28+s20+$0x0], $0xffff  }
0x11b: {  	v14 =	vmax.f32 v14, $0.0e+00;
	v32 =	vmul.f32 v24, v52;
	v38 =	vmul.f32 v61, v13;
	v13 =	vld [tilespmem:s9+$0x4230]  }
0x11c: {  	v10 =	vmul.f32 $6.250000090e-03, v53;
	v46 =	vmul.f32 $3.149999980e-01, v14;
	v24 =	vmin.f32 v19, $6.300000000e+01;
	v19 =	vld [tilespmem:s9+$0xC230]  }
0x11d: {  	v54 =	vld [tilespmem:s9+$0x4240];
	v17 =	vmax.f32 v17, $0.0e+00;
	v35 =	vmul.f32 v62, v55;
	v52 =	vtrunc.f32 v24  }
0x11e: {  	v55 =	vtrunc.f32 v37;
	v17 =	vmul.f32 $6.250000090e-03, v17;
	v47 =	vmin.f32 v10, $6.300000000e+01;
	v10 =	vld [tilespmem:s9+$0xC260]  }
0x11f: {  	v44 =	vld.idx.msk [tilespmem:v22+s22+$0x0], $0xffff;
	v39 =	vcvt.f32.s32 v52;
	v42 =	vcvt.f32.s32 v55;
	v11 =	vmax.f32 v15, $0.0e+00  }
0x120: {  	v30 =	vadd.f32 v30, v8;
	v52 =	vld.idx.msk [tilespmem:v27+s22+$0x0], $0xffff;
	v41 =	vtrunc.f32 v47;
	v11 =	vmul.f32 $3.149999980e-01, v11  }
0x121: {  	v15 =	vld [tilespmem:s9+$0x4250];
	v6 =	vmul.f32 v51, v6;
	v13 =	vmax.f32 v13, $0.0e+00;
	v14 =	vmax.f32 v19, $0.0e+00  }
0x122: {  	v28 =	vld.idx.msk [tilespmem:v28+s5+$0x0], $0xffff;
	v13 =	vmul.f32 $6.250000090e-03, v13;
	v48 =	vmin.f32 v11, $6.300000000e+01;
	v19 =	vmul.f32 $3.149999980e-01, v14  }
0x123: {  	v53 =	vld.idx.msk [tilespmem:v0+s5+$0x0], $0xffff;
	v14 =	vmax.f32 v54, $0.0e+00;
	v11 =	vmin.f32 v12, $6.300000000e+01;
	v10 =	vmax.f32 v10, $0.0e+00  }
0x124: {  	v5 =	vmul.f32 v44, v5;
	v50 =	vmul.f32 $6.250000090e-03, v14;
	v14 =	vmax.f32 v56, $0.0e+00;
	v56 =	vld.idx.msk [tilespmem:v21+s21+$0x0], $0xffff  }
0x125: {  	v12 =	vmin.f32 v7, $6.300000000e+01;
	v63 =	vmul.f32 $3.149999980e-01, v10;
	v21 =	vcvt.f32.s32 v41;
	v49 =	vld.idx.msk [tilespmem:v39+s20+$0x0], $0xffff  }
0x126: {  	v26 =	vmul.f32 v52, v26;
	v59 =	vld.idx.msk [tilespmem:v42+s22+$0x0], $0xffff;
	v7 =	vmul.f32 $3.149999980e-01, v14;
	v15 =	vmax.f32 v15, $0.0e+00  }
0x127: {  	v14 =	vmin.f32 v17, $6.300000000e+01;
	v60 =	vld.idx.msk [tilespmem:v42+s21+$0x0], $0xffff;
	v17 =	vmax.f32 v57, $0.0e+00;
	v19 =	vmin.f32 v19, $6.300000000e+01  }
0x128: {  	v42 =	vld.idx.msk [tilespmem:v1+s21+$0x0], $0xffff;
	v1 =	vmin.f32 v45, $6.300000000e+01;
	v61 =	vmul.f32 $6.250000090e-03, v15;
	v15 =	vmin.f32 v46, $6.300000000e+01  }
0x129: {  	v62 =	vmul.f32 $3.149999980e-01, v17;
	v17 =	vmin.f32 v13, $6.300000000e+01;
	v46 =	vtrunc.f32 v48  }
0x12a: {  	v39 =	vld.idx.msk [tilespmem:v39+s5+$0x0], $0xffff;
	v13 =	vmin.f32 v50, $6.300000000e+01;
	v40 =	vtrunc.f32 v14;
	v57 =	vtrunc.f32 v19  }
0x12b: {  	v45 =	vld.idx.msk [tilespmem:v2+s5+$0x0], $0xffff;
	v2 =	vmin.f32 v63, $6.300000000e+01;
	v50 =	vtrunc.f32 v15;
	v55 =	vtrunc.f32 v17  }
0x12c: {  	v18 =	vld.idx.msk [tilespmem:v18+s21+$0x0], $0xffff;
	v33 =	vadd.f32 v33, v53;
	v58 =	vtrunc.f32 v13;
	v63 =	vtrunc.f32 v2  }
0x12d: {  	v28 =	vadd.f32 v6, v28;
	v54 =	vld.idx.msk [tilespmem:v20+s5+$0x0], $0xffff;
	v24 =	vmul.f32 v49, v24;
	v37 =	vmul.f32 v59, v37  }
0x12e: {  	v41 =	vld.idx.msk [tilespmem:v16+s5+$0x0], $0xffff;
	v10 =	vmin.f32 v7, $6.300000000e+01;
	v20 =	vcvt.f32.s32 v40;
	v16 =	vcvt.f32.s32 v57  }
0x12f: {  	v27 =	vld.idx.msk [tilespmem:v27+s21+$0x0], $0xffff;
	v7 =	vmin.f32 v61, $6.300000000e+01;
	v24 =	vadd.f32 v24, v39;
	v37 =	vadd.f32 v37, v60  }
0x130: {  	v40 =	vld.idx.msk [tilespmem:v22+s21+$0x0], $0xffff;
	v0 =	vmin.f32 v62, $6.300000000e+01;
	v61 =	vtrunc.f32 v1;
	v22 =	vcvt.f32.s32 v50  }
0x131: {  	v49 =	vtrunc.f32 v11;
	v37 =	vadd.f32 v37, v24;
	v24 =	vcvt.f32.s32 v46  }
0x132: {  	v45 =	vadd.f32 v23, v45;
	v57 =	vld.idx.msk [tilespmem:v21+s20+$0x0], $0xffff;
	v23 =	vcvt.f32.s32 v49;
	v39 =	vtrunc.f32 v12  }
0x133: {  	v62 =	vadd.f32 v25, v18;
	v18 =	vcvt.f32.s32 v55;
	v49 =	vld.idx.msk [tilespmem:v3+s5+$0x0], $0xffff;
	v25 =	vcvt.f32.s32 v39  }
0x134: {  	v6 =	vcvt.f32.s32 v63;
	v63 =	vadd.f32 v26, v27;
	v53 =	vtrunc.f32 v7;
	v60 =	vld.idx.msk [tilespmem:v9+s21+$0x0], $0xffff  }
0x135: {  	v36 =	vadd.f32 v36, v56;
	v41 =	vadd.f32 v32, v41;
	v59 =	vtrunc.f32 v10;
	v46 =	vld.idx.msk [tilespmem:v4+s21+$0x0], $0xffff  }
0x136: {  	v34 =	vadd.f32 v34, v42;
	v42 =	vtrunc.f32 v0;
	v28 =	vadd.f32 v63, v28;
	v32 =	vld.idx.msk [tilespmem:v20+s20+$0x0], $0xffff  }
0x137: {  	v8 =	vcvt.f32.s32 v59;
	v9 =	vcvt.f32.s32 v58;
	v40 =	vadd.f32 v5, v40;
	v58 =	vld.idx.msk [tilespmem:v24+s22+$0x0], $0xffff  }
0x138: {  	[tilespmem:s7+$0x14270] =	vst v43;
	v3 =	vcvt.f32.s32 v53;
	v39 =	vadd.f32 v29, v54;
	v59 =	vadd.f32 v35, v49;
	v29 =	vld.idx.msk [tilespmem:v23+s20+$0x0], $0xffff  }
0x139: {  	v26 =	vmul.f32 v57, v47;
	v56 =	vadd.f32 v31, v60;
	v60 =	vadd.f32 v34, v33;
	v31 =	vld.idx.msk [tilespmem:v25+s22+$0x0], $0xffff  }
0x13a: {  	v5 =	vcvt.f32.s32 v61;
	[tilespmem:s9+$0x14270] =	vst v37;
	v35 =	vadd.f32 v36, v39;
	v37 =	vld.idx.msk [tilespmem:v18+s20+$0x0], $0xffff;
	v38 =	vadd.f32 v38, v46  }
0x13b: {  	v4 =	vcvt.f32.s32 v42;
	v34 =	vadd.f32 v62, v45;
	v33 =	vld.idx.msk [tilespmem:v22+s22+$0x0], $0xffff;
	[tilespmem:s7+$0x14200] =	vst v60;
	v36 =	vadd.f32 v56, v30  }
0x13c: {  	v30 =	vadd.f32 v40, v59;
	v39 =	vadd.f32 v38, v41;
	v38 =	vld.idx.msk [tilespmem:v16+s22+$0x0], $0xffff;
	v27 =	vmul.f32 v58, v48  }
.LBB2_5:
0x13d: {  	s10 =	sadd.s32 $0x8, s10;
	v29 =	vmul.f32 v29, v11;
	v11 =	vld.idx.msk [tilespmem:v9+s20+$0x0], $0xffff;
	s11 =	sadd.s32 $0x400, s11;
	[tilespmem:s7+$0x14210] =	vst v34  }
0x13e: {  	v34 =	vmul.f32 v31, v12;
	s12 =	sand.u32 $0x380, s10;
	s13 =	sand.u32 $0x3C00, s11;
	p0 =	slt.u32 s10, $0x3F8;
	v12 =	vld.idx.msk [tilespmem:v8+s22+$0x0], $0xffff;
	[tilespmem:s7+$0x14220] =	vst v35  }
0x13f: {  	v35 =	vmul.f32 v32, v14;
	s12 =	sor.u32 s12, s13;
	v14 =	vld.idx.msk [tilespmem:v3+s20+$0x0], $0xffff;
	[tilespmem:s7+$0x14230] =	vst v36  }
0x140: {  	v36 =	vmul.f32 v33, v15;
	v40 =	vld [tilespmem:s12+$0x4270];
	[tilespmem:s7+$0x14240] =	vst v39  }
0x141: {  	v33 =	vmul.f32 v37, v17;
	v15 =	vld [tilespmem:s12+$0xC270];
	[tilespmem:s7+$0x14250] =	vst v30  }
0x142: {  	v31 =	vmul.f32 v38, v19;
	v17 =	vld [tilespmem:s12+$0x4200];
	[tilespmem:s7+$0x14260] =	vst v28;
	s7 =	smov.u32 s9;
	s9 =	smov.u32 s12  }
0x143: {  	v32 =	vmul.f32 v11, v13;
	v19 =	vld [tilespmem:s9+$0xC200]  }
0x144: {  	v30 =	vmul.f32 v12, v10;
	v11 =	vld [tilespmem:s9+$0x4210]  }
0x145: {  	v28 =	vmul.f32 v14, v7;
	v10 =	vld [tilespmem:s9+$0xC210];
	v12 =	vmax.f32 v40, $0.0e+00  }
0x146: {  	v7 =	vld [tilespmem:s9+$0x4220];
	v12 =	vmul.f32 $6.250000090e-03, v12;
	v13 =	vmax.f32 v15, $0.0e+00  }
0x147: {  	v14 =	vmax.f32 v17, $0.0e+00;
	v15 =	vld [tilespmem:s9+$0xC220];
	v13 =	vmul.f32 $3.149999980e-01, v13  }
0x148: {  	v14 =	vmul.f32 $6.250000090e-03, v14;
	v17 =	vmax.f32 v19, $0.0e+00;
	v19 =	vld [tilespmem:s9+$0x4230];
	v39 =	vmin.f32 v12, $6.300000000e+01  }
0x149: {  	v11 =	vmax.f32 v11, $0.0e+00;
	v12 =	vld [tilespmem:s9+$0xC230];
	v40 =	vmin.f32 v13, $6.300000000e+01;
	v13 =	vtrunc.f32 v39  }
0x14a: {  	v10 =	vmax.f32 v10, $0.0e+00;
	v41 =	vld [tilespmem:s9+$0x4240];
	v13 =	vcvt.f32.s32 v13;
	v37 =	vtrunc.f32 v40  }
0x14b: {  	v17 =	vmul.f32 $3.149999980e-01, v17;
	v7 =	vmax.f32 v7, $0.0e+00;
	v42 =	vld [tilespmem:s9+$0xC240];
	v43 =	vcvt.f32.s32 v37  }
0x14c: {  	v11 =	vmul.f32 $6.250000090e-03, v11;
	v10 =	vmul.f32 $3.149999980e-01, v10;
	v15 =	vmax.f32 v15, $0.0e+00;
	v44 =	vld [tilespmem:s9+$0x4250]  }
0x14d: {  	v7 =	vmul.f32 $6.250000090e-03, v7;
	v15 =	vmul.f32 $3.149999980e-01, v15;
	v19 =	vmax.f32 v19, $0.0e+00;
	v45 =	vld [tilespmem:s9+$0xC250]  }
0x14e: {  	v37 =	vmin.f32 v14, $6.300000000e+01;
	v19 =	vmul.f32 $6.250000090e-03, v19;
	v12 =	vmax.f32 v12, $0.0e+00;
	v46 =	vld [tilespmem:s9+$0x4260]  }
0x14f: {  	v38 =	vmin.f32 v17, $6.300000000e+01;
	v47 =	vmul.f32 $3.149999980e-01, v12;
	v12 =	vmax.f32 v41, $0.0e+00;
	v41 =	vld [tilespmem:s9+$0xC260]  }
0x150: {  	v11 =	vmin.f32 v11, $6.300000000e+01;
	v48 =	vmul.f32 $6.250000090e-03, v12;
	v14 =	vmax.f32 v42, $0.0e+00;
	v42 =	vld.idx.msk [tilespmem:v13+s20+$0x0], $0xffff  }
0x151: {  	v12 =	vmin.f32 v10, $6.300000000e+01;
	v10 =	vmul.f32 $3.149999980e-01, v14;
	v17 =	vmax.f32 v44, $0.0e+00;
	v44 =	vld.idx.msk [tilespmem:v43+s22+$0x0], $0xffff  }
0x152: {  	v14 =	vmin.f32 v7, $6.300000000e+01;
	v7 =	vmul.f32 $6.250000090e-03, v17;
	v17 =	vmax.f32 v45, $0.0e+00;
	v45 =	vld.idx.msk [tilespmem:v13+s5+$0x0], $0xffff  }
0x153: {  	v15 =	vmin.f32 v15, $6.300000000e+01;
	v49 =	vmul.f32 $3.149999980e-01, v17;
	v13 =	vmax.f32 v46, $0.0e+00;
	v43 =	vld.idx.msk [tilespmem:v43+s21+$0x0], $0xffff  }
0x154: {  	v17 =	vmin.f32 v19, $6.300000000e+01;
	v46 =	vmul.f32 $6.250000090e-03, v13;
	v41 =	vmax.f32 v41, $0.0e+00;
	v50 =	vld.idx.msk [tilespmem:v4+s22+$0x0], $0xffff  }
0x155: {  	v19 =	vmin.f32 v47, $6.300000000e+01;
	v13 =	vmin.f32 v48, $6.300000000e+01;
	v41 =	vmul.f32 $3.149999980e-01, v41;
	v47 =	vld.idx.msk [tilespmem:v5+s20+$0x0], $0xffff  }
0x156: {  	v10 =	vmin.f32 v10, $6.300000000e+01;
	v7 =	vmin.f32 v7, $6.300000000e+01;
	v48 =	vmin.f32 v49, $6.300000000e+01;
	v49 =	vld.idx.msk [tilespmem:v6+s22+$0x0], $0xffff  }
0x157: {  	v39 =	vmul.f32 v42, v39;
	v46 =	vmin.f32 v46, $6.300000000e+01;
	v40 =	vmul.f32 v44, v40;
	v21 =	vld.idx.msk [tilespmem:v21+s5+$0x0], $0xffff  }
0x158: {  	v42 =	vtrunc.f32 v37;
	v44 =	vtrunc.f32 v38;
	v41 =	vmin.f32 v41, $6.300000000e+01;
	v24 =	vld.idx.msk [tilespmem:v24+s21+$0x0], $0xffff  }
0x159: {  	v51 =	vtrunc.f32 v11;
	v39 =	vadd.f32 v39, v45;
	v40 =	vadd.f32 v40, v43;
	v23 =	vld.idx.msk [tilespmem:v23+s5+$0x0], $0xffff  }
0x15a: {  	v45 =	vtrunc.f32 v14;
	v43 =	vtrunc.f32 v12;
	v25 =	vld.idx.msk [tilespmem:v25+s21+$0x0], $0xffff  }
0x15b: {  	v52 =	vtrunc.f32 v15;
	v53 =	vtrunc.f32 v17;
	v39 =	vadd.f32 v40, v39;
	v40 =	vld.idx.msk [tilespmem:v20+s5+$0x0], $0xffff  }
0x15c: {  	v54 =	vtrunc.f32 v19;
	v55 =	vtrunc.f32 v13;
	v56 =	vld.idx.msk [tilespmem:v22+s21+$0x0], $0xffff  }
0x15d: {  	v57 =	vtrunc.f32 v10;
	v58 =	vtrunc.f32 v7;
	v26 =	vadd.f32 v26, v21;
	[tilespmem:s9+$0x14270] =	vst v39;
	v39 =	vld.idx.msk [tilespmem:v18+s5+$0x0], $0xffff  }
0x15e: {  	v59 =	vtrunc.f32 v48;
	v60 =	vtrunc.f32 v46;
	v27 =	vadd.f32 v27, v24;
	v61 =	vld.idx.msk [tilespmem:v16+s21+$0x0], $0xffff  }
0x15f: {  	v21 =	vcvt.f32.s32 v42;
	v42 =	vtrunc.f32 v41;
	v62 =	vadd.f32 v29, v23;
	v29 =	vld.idx.msk [tilespmem:v9+s5+$0x0], $0xffff  }
0x160: {  	v24 =	vcvt.f32.s32 v44;
	v23 =	vcvt.f32.s32 v51;
	v34 =	vadd.f32 v34, v25;
	v44 =	vld.idx.msk [tilespmem:v8+s21+$0x0], $0xffff  }
0x161: {  	v20 =	vcvt.f32.s32 v45;
	v25 =	vcvt.f32.s32 v43;
	v35 =	vadd.f32 v35, v40;
	v40 =	vld.idx.msk [tilespmem:v3+s5+$0x0], $0xffff  }
0x162: {  	v22 =	vcvt.f32.s32 v52;
	v18 =	vcvt.f32.s32 v53;
	v36 =	vadd.f32 v36, v56;
	v43 =	vld.idx.msk [tilespmem:v4+s21+$0x0], $0xffff  }
0x163: {  	v16 =	vcvt.f32.s32 v54;
	v9 =	vcvt.f32.s32 v55;
	v39 =	vadd.f32 v33, v39;
	v33 =	vld.idx.msk [tilespmem:v5+s5+$0x0], $0xffff  }
0x164: {  	v8 =	vcvt.f32.s32 v57;
	v3 =	vcvt.f32.s32 v58;
	v45 =	vadd.f32 v31, v61;
	v51 =	vld.idx.msk [tilespmem:v6+s21+$0x0], $0xffff  }
0x165: {  	v4 =	vcvt.f32.s32 v59;
	v5 =	vcvt.f32.s32 v60;
	v53 =	vadd.f32 v32, v29;
	v52 =	vld.idx.msk [tilespmem:v21+s20+$0x0], $0xffff  }
0x166: {  	v6 =	vcvt.f32.s32 v42;
	v32 =	vmul.f32 v50, v0;
	v0 =	vmovc v48;
	v30 =	vadd.f32 v30, v44;
	v54 =	vld.idx.msk [tilespmem:v24+s22+$0x0], $0xffff  }
0x167: {  	v42 =	vmul.f32 v49, v2;
	v28 =	vadd.f32 v28, v40;
	v40 =	vmul.f32 v47, v1;
	v29 =	vld.idx.msk [tilespmem:v23+s20+$0x0], $0xffff  }
.Ltmp3:
0x168: {  	v26 =	vadd.f32 v27, v26;
	v2 =	vmovc v41;
	v1 =	vmov v46;
	v43 =	vadd.f32 v32, v43;
	v31 =	vld.idx.msk [tilespmem:v25+s22+$0x0], $0xffff;
	(pc) =	sbr.rel @p0 .LBB2_5-.Ltmp3, $4  }
0x169: {  	v34 =	vadd.f32 v34, v62;
	v40 =	vadd.f32 v40, v33;
	v32 =	vld.idx.msk [tilespmem:v20+s20+$0x0], $0xffff  }
0x16a: {  	v35 =	vadd.f32 v36, v35;
	v41 =	vadd.f32 v42, v51;
	v33 =	vld.idx.msk [tilespmem:v22+s22+$0x0], $0xffff;
	[tilespmem:s7+$0x14200] =	vst v26  }
0x16b: {  	v36 =	vadd.f32 v45, v39;
	v39 =	vadd.f32 v30, v53;
	v26 =	vmul.f32 v52, v37;
	v37 =	vld.idx.msk [tilespmem:v18+s20+$0x0], $0xffff  }
0x16c: {  	v30 =	vadd.f32 v43, v28;
	v27 =	vmul.f32 v54, v38;
	v28 =	vadd.f32 v41, v40;
	v38 =	vld.idx.msk [tilespmem:v16+s22+$0x0], $0xffff  }
0x16d: {  	_ =	sdelay $0x3  }
0x16e: {  	v40 =	vld.idx.msk [tilespmem:v9+s20+$0x0], $0xffff  }
0x16f: {  	v41 =	vld.idx.msk [tilespmem:v8+s22+$0x0], $0xffff  }
0x170: {  	v42 =	vld.idx.msk [tilespmem:v3+s20+$0x0], $0xffff  }
0x171: {  	v43 =	vld.idx.msk [tilespmem:v4+s22+$0x0], $0xffff  }
0x172: {  	v44 =	vld.idx.msk [tilespmem:v5+s20+$0x0], $0xffff  }
0x173: {  	v45 =	vld.idx.msk [tilespmem:v6+s22+$0x0], $0xffff  }
0x174: {  	v21 =	vld.idx.msk [tilespmem:v21+s5+$0x0], $0xffff  }
0x175: {  	v24 =	vld.idx.msk [tilespmem:v24+s21+$0x0], $0xffff  }
0x176: {  	v23 =	vld.idx.msk [tilespmem:v23+s5+$0x0], $0xffff  }
0x177: {  	v25 =	vld.idx.msk [tilespmem:v25+s21+$0x0], $0xffff  }
0x178: {  	v20 =	vld.idx.msk [tilespmem:v20+s5+$0x0], $0xffff  }
0x179: {  	v22 =	vld.idx.msk [tilespmem:v22+s21+$0x0], $0xffff;
	[tilespmem:s7+$0x14210] =	vst v34  }
0x17a: {  	v18 =	vld.idx.msk [tilespmem:v18+s5+$0x0], $0xffff;
	[tilespmem:s7+$0x14220] =	vst v35  }
0x17b: {  	v11 =	vmul.f32 v29, v11;
	v16 =	vld.idx.msk [tilespmem:v16+s21+$0x0], $0xffff;
	[tilespmem:s7+$0x14230] =	vst v36  }
0x17c: {  	v12 =	vmul.f32 v31, v12;
	v53 =	vld.idx.msk [tilespmem:v9+s5+$0x0], $0xffff;
	[tilespmem:s7+$0x14240] =	vst v39;
	v14 =	vmul.f32 v32, v14  }
0x17d: {  	v54 =	vld.idx.msk [tilespmem:v8+s21+$0x0], $0xffff;
	v15 =	vmul.f32 v33, v15;
	v17 =	vmul.f32 v37, v17;
	v21 =	vadd.f32 v26, v21  }
0x17e: {  	v55 =	vld.idx.msk [tilespmem:v3+s5+$0x0], $0xffff;
	v19 =	vmul.f32 v38, v19;
	v24 =	vadd.f32 v27, v24;
	v11 =	vadd.f32 v11, v23  }
0x17f: {  	v56 =	vld.idx.msk [tilespmem:v4+s21+$0x0], $0xffff;
	v13 =	vmul.f32 v40, v13;
	v12 =	vadd.f32 v12, v25;
	v14 =	vadd.f32 v14, v20  }
0x180: {  	v57 =	vld.idx.msk [tilespmem:v5+s5+$0x0], $0xffff;
	v10 =	vmul.f32 v41, v10;
	v15 =	vadd.f32 v15, v22;
	v17 =	vadd.f32 v17, v18  }
0x181: {  	v58 =	vld.idx.msk [tilespmem:v6+s21+$0x0], $0xffff;
	v7 =	vmul.f32 v42, v7;
	v16 =	vadd.f32 v19, v16;
	v9 =	vadd.f32 v13, v53  }
0x182: {  	[tilespmem:s7+$0x14250] =	vst v30;
	v0 =	vmul.f32 v43, v0;
	v8 =	vadd.f32 v10, v54;
	v59 =	vadd.f32 v24, v21  }
0x183: {  	[tilespmem:s7+$0x14260] =	vst v28;
	v1 =	vmul.f32 v44, v1;
	v3 =	vadd.f32 v7, v55;
	v60 =	vadd.f32 v12, v11  }
0x184: {  	v2 =	vmul.f32 v45, v2;
	v0 =	vadd.f32 v0, v56;
	v61 =	vadd.f32 v15, v14;
	[tilespmem:s9+$0x14200] =	vst v59  }
0x185: {  	v1 =	vadd.f32 v1, v57;
	v62 =	vadd.f32 v16, v17;
	[tilespmem:s9+$0x14210] =	vst v60  }
0x186: {  	v2 =	vadd.f32 v2, v58;
	v63 =	vadd.f32 v8, v9;
	[tilespmem:s9+$0x14220] =	vst v61  }
.Ltmp4:
0x187: {  	v0 =	vadd.f32 v0, v3;
	[tilespmem:s9+$0x14230] =	vst v62;
	(pc) =	sbr.rel @p1 .LBB2_8-.Ltmp4, $4  }
0x188: {  	s13 =	sadd.s32 s15, s6;
	v1 =	vadd.f32 v2, v1;
	[tilespmem:s9+$0x14240] =	vst v63  }
0x189: {  	s7 =	sshrl.u32 s13, $0x3;
	[tilespmem:s9+$0x14250] =	vst v0  }
0x18a: {  	s7 =	sadd.s32 s4, s7;
	[tilespmem:s9+$0x14260] =	vst v1  }
0x18b: {  	[hbm4b:s7+s5] =	stream.linear.scatter [tilespmem:s31], [sflag:$0x4], $0x4000, $0x38;
	[tilespmem:$0x18200] =	vst v63  }
0x18c: {  	s6 =	sadd.s32 s6, s17  }
.Ltmp5:
0x18d: {  	s6 =	sshrl.u32 s6, $0x3;
	(pc) =	sbr.rel .LBB2_2-.Ltmp5, $4  }
0x18e: {  	s7 =	sadd.s32 s1, s6  }
0x18f: {  	[tilespmem:s25], [sflag:$0x2] =	stream.linear.gather [hbm4b:s7+s5], $0x4000, $0x38;
	[tilespmem:$0x18200] =	vst v63  }
0x190: {  	s24 =	sadd.s32 $0x1, s24;
	s6 =	sadd.s32 s2, s6  }
0x191: {  	[tilespmem:s26], [sflag:$0x2] =	stream.linear.gather [hbm4b:s6+s5], $0x4000, $0x38;
	[tilespmem:$0x18200] =	vst v63  }
.LBB2_9:
0x192: {  	_ =	sfence.sel $0x180000  }
0x193: {  	[bflag:$0x0] =	sbarrier.arrive $0xFFFF  }
0x194: {  	_ =	strace $0x90000047  }
0x195: {  	s0 =	stileid.u32;
	[bflag:$0x2] =	sbarrier.arrive $0xFFFF  }
0x196: {  	p0 =	sne.s32 s0, $0x0;
	s0 =	rddreg [dreg:$0x4]  }
0x197: {  	s0 =	sadd.s32 @!p0 $0x100000, s0  }
0x198: {  	[sflag:s0] =	ssyncadd.tile.s32 @!p0 $0x1;
	_ =	shalt  }
.Lfunc_end2:
_tile_overlayer_lowered:
.L_overlay_start_2:
0x199: {  	(tag) =	ssettag $0x2  }
0x19a: {  	s0 =	rddreg [dreg:$0x0];
	s2 =	stileid.u32  }
0x19b: {  	s1 =	rddreg [dreg:$0x1];
	p0 =	sne.s32 s2, $0x0  }
0x19c: {  	s3 =	rddreg [dreg:$0x2];
	[bflag:$0x3] =	sbarrier.arrive $0xFFFF;
	s2 =	simm.s32 @!p0 $0x1C05  }
0x19d: {  	[timem:s3], [sflag:s2] =	dma.local @!p0 [hbm:s0], s1  }
0x19e: {  	s0 =	simm.s32 @!p0 $0x5  }
0x19f: {  	_ =	swait.ge @!p0 [sflag:s0], s1  }
0x1a0: {  	s1 =	ssub.s32 @!p0 $0x0, s1;
	[sflag:s0] =	ssyncset.done @!p0 $0x0  }
0x1a1: {  	[sflag:s0] =	ssyncadd.s32 @!p0 s1  }
0x1a2: {  	[bflag:$0x3] =	sbarrier.arrive $0xFFFF  }
0x1a3: {  	_ =	shalt  }

</sc_bundles>
